<compile_context>
chip_gen: v7x
topology: tpu7x:2x2x1
jax: 0.10.2.dev20260603
libtpu: 0.0.44.dev20260713+nightly
codegen_flags: <defaults>
</compile_context>

<pallas_src>
import functools

import jax
import jax.numpy as jnp
from jax import lax
from jax.experimental import pallas as pl
from jax.experimental.pallas import tpu as pltpu
from jax.experimental.pallas import tpu_sc as plsc

_N = 1_000_000
_EPS = 1e-12
_NEG_INF = float("-inf")
_IMAX = 2**31 - 1

_NW = 32
_CHUNK = 32_000
_TAIL = _N - 31 * _CHUNK
_Q = _CHUNK // 4
_QIT = _Q // 64

_sc_mesh = plsc.VectorSubcoreMesh(core_axis_name="c", subcore_axis_name="s")


def _sc_quarter(buf, base, s4):
    def it(i, s4):
        b = base + i * 64
        return tuple(s4[j] + jnp.exp(buf[pl.ds(b + j * 16, 16)])
                     for j in range(4))

    return lax.fori_loop(0, _QIT, it, s4)


@functools.partial(
    pl.kernel,
    mesh=_sc_mesh,
    out_type=jax.ShapeDtypeStruct((_NW, 16), jnp.float32),
    scratch_types=[
        pltpu.VMEM((_CHUNK,), jnp.float32),
        pltpu.VMEM((16,), jnp.float32),
        pltpu.SemaphoreType.DMA,
        pltpu.SemaphoreType.DMA,
        pltpu.SemaphoreType.DMA,
        pltpu.SemaphoreType.DMA,
    ],
)
def _sc_sumexp(x_hbm, out_hbm, xbuf, svec, s0, s1, s2, s3):
    wid = lax.axis_index("s") * 2 + lax.axis_index("c")
    is_last = wid == _NW - 1
    zero = jnp.zeros((16,), jnp.float32)
    init = (zero, zero, zero, zero)
    sems = (s0, s1, s2, s3)

    @pl.when(jnp.logical_not(is_last))
    def _bulk():
        base = wid * _CHUNK
        cps = []
        for q in range(4):
            cp = pltpu.make_async_copy(
                x_hbm.at[pl.ds(base + q * _Q, _Q)],
                xbuf.at[pl.ds(q * _Q, _Q)], sems[q])
            cp.start()
            cps.append(cp)
        s4 = init
        for q in range(4):
            cps[q].wait()
            s4 = _sc_quarter(xbuf, q * _Q, s4)
        svec[...] = (s4[0] + s4[1]) + (s4[2] + s4[3])

    @pl.when(is_last)
    def _tail():
        pltpu.make_async_copy(
            x_hbm.at[pl.ds(31 * _CHUNK, _TAIL)],
            xbuf.at[pl.ds(0, _TAIL)], s0).start()
        pltpu.make_async_copy(
            x_hbm.at[pl.ds(31 * _CHUNK, _TAIL)],
            xbuf.at[pl.ds(0, _TAIL)], s0).wait()
        s4 = _sc_quarter(xbuf, 0, init)
        svec[...] = (s4[0] + s4[1]) + (s4[2] + s4[3])

    pltpu.sync_copy(svec, out_hbm.at[wid])


_BK = 131_072
_GRID = -(-_N // _BK)


def _tc_argmax_body(x_ref, u_ref, act_ref, bl_ref,
                    pat_ref, acc_ref, accg_ref, accx_ref):
    i = pl.program_id(0)

    @pl.when(i == 0)
    def _init():
        pat_ref[...] = jax.lax.broadcasted_iota(
            jnp.int32, (_BK,), 0).astype(jnp.float32)
        acc_ref[...] = jnp.full((_BK,), _NEG_INF, jnp.float32)
        accg_ref[...] = jnp.zeros((_BK,), jnp.float32)
        accx_ref[...] = jnp.zeros((_BK,), jnp.float32)

    base = jnp.float32(i * _BK)
    pat = pat_ref[...]
    x = x_ref[...]
    g = -jnp.log(-jnp.log(u_ref[...] + _EPS) + _EPS)
    p = jnp.where(pat < jnp.float32(_N) - base, x + g, _NEG_INF)
    better = p > acc_ref[...]
    acc_ref[...] = jnp.where(better, p, acc_ref[...])
    accg_ref[...] = jnp.where(better, pat + base, accg_ref[...])
    accx_ref[...] = jnp.where(better, x, accx_ref[...])

    @pl.when(i == _GRID - 1)
    def _fin():
        acc = acc_ref[...]
        accg = accg_ref[...]
        gm = jnp.max(acc)
        af = jnp.min(jnp.where(acc == gm, accg, jnp.float32(2 ** 25)))
        act_ref[0] = af.astype(jnp.int32)
        bl_ref[0] = jnp.max(jnp.where(accg == af, accx_ref[...], _NEG_INF))


def _tc_argmax(x, u):
    return pl.pallas_call(
        _tc_argmax_body,
        grid=(_GRID,),
        in_specs=[
            pl.BlockSpec((_BK,), lambda i: (i,)),
            pl.BlockSpec((_BK,), lambda i: (i,)),
        ],
        out_specs=[
            pl.BlockSpec(memory_space=pltpu.SMEM),
            pl.BlockSpec(memory_space=pltpu.SMEM),
        ],
        out_shape=[
            jax.ShapeDtypeStruct((1,), jnp.int32),
            jax.ShapeDtypeStruct((1,), jnp.float32),
        ],
        scratch_shapes=[
            pltpu.VMEM((_BK,), jnp.float32),
            pltpu.VMEM((_BK,), jnp.float32),
            pltpu.VMEM((_BK,), jnp.float32),
            pltpu.VMEM((_BK,), jnp.float32),
        ],
    )(x, u)


def _merge_body(s_ref, a_ref, bl_ref, act_ref, lp_ref):
    act_ref[0] = a_ref[0]
    lp_ref[0] = bl_ref[0] - jnp.log(jnp.sum(s_ref[...]))


def _merge(s_partials, act, bl):
    return pl.pallas_call(
        _merge_body,
        in_specs=[
            pl.BlockSpec(memory_space=pltpu.VMEM),
            pl.BlockSpec(memory_space=pltpu.SMEM),
            pl.BlockSpec(memory_space=pltpu.SMEM),
        ],
        out_specs=[
            pl.BlockSpec(memory_space=pltpu.SMEM),
            pl.BlockSpec(memory_space=pltpu.SMEM),
        ],
        out_shape=[
            jax.ShapeDtypeStruct((1,), jnp.int32),
            jax.ShapeDtypeStruct((1,), jnp.float32),
        ],
    )(s_partials, act, bl)


@jax.jit
def kernel(logits, u):
    s = _sc_sumexp(logits)
    act, bl = _tc_argmax(logits, u)
    a, lp = _merge(s, act, bl)
    return a[0], lp[0]

# --- scband reference (transcript-rebuilt; emitter-appended) ---
"""Pipeline reference for scband-bandit-policy-87978110091745 (READ-ONLY COPY).

The authoritative reference and input builder live on the scoring server;
editing this copy changes nothing except your own understanding.
"""

import jax, jax.numpy as jnp
import numpy as np


def setup_inputs(seed: int = 0) -> dict:
    key = jax.random.key(seed)
    k1, k2 = jax.random.split(key)
    n_arms = 1000000
    # learned parameter: policy logits (initialized as zeros in torch; use randn as a trained state)
    logits = jax.random.normal(k1, (n_arms,), dtype=jnp.float32)
    # uniform noise used to reparameterize Categorical.sample() via the Gumbel-max trick
    u = jax.random.uniform(k2, (n_arms,), dtype=jnp.float32)
    return {"logits": logits, "u": u}


def reference(logits, u):
    # BanditPolicy.act():
    #   dist = Categorical(logits=self.logits)
    #   action = dist.sample()          -> Gumbel-max trick with explicit noise u
    #   log_prob = dist.log_prob(action) -> log_softmax(logits)[action]
    eps = 1e-12
    gumbel = -jnp.log(-jnp.log(u + eps) + eps)
    action = jnp.argmax(logits + gumbel)
    log_prob = jax.nn.log_softmax(logits)[action]
    return (action, log_prob)

if __name__ == "__main__":
    import jax
    _d = setup_inputs()
    print(jax.jit(kernel)(*tuple(_d.values())))

</pallas_src>

<mosaic_0001>
#map = affine_map<(d0, d1) -> (0)>
#map1 = affine_map<(d0, d1) -> (0, 0)>
module attributes {stable_mosaic.version = 14 : i64} {
  func.func @_sc_sumexp(%arg0: i32, %arg1: i32, %arg2: memref<1000000xf32, #tpu.memory_space<hbm>>, %arg3: memref<32x16xf32, #tpu.memory_space<hbm>>, %arg4: memref<32000xf32, #tpu.memory_space<vmem>>, %arg5: memref<16xf32, #tpu.memory_space<vmem>>, %arg6: memref<!tpu.dma_semaphore, #tpu.memory_space<semaphore_mem>>, %arg7: memref<!tpu.dma_semaphore, #tpu.memory_space<semaphore_mem>>, %arg8: memref<!tpu.dma_semaphore, #tpu.memory_space<semaphore_mem>>, %arg9: memref<!tpu.dma_semaphore, #tpu.memory_space<semaphore_mem>>) attributes {dimension_semantics = [#tpu.dimension_semantics<core_parallel>, #tpu.dimension_semantics<subcore_parallel>], iteration_bounds = array<i64: 2, 16>, scalar_prefetch = 0 : i64, scratch_operands = 6 : i64, tpu.core_type = #tpu.core_type<sc_vector_subcore>, window_params = [{transform_indices = #map}, {transform_indices = #map1}]} {
    %mul3A = arith.constant 2 : i32
    %mul3A_0 = arith.muli %arg1, %mul3A : i32
    %add3A = arith.addi %mul3A_0, %arg0 : i32
    %eq3A = arith.constant 31 : i32
    %eq3A_1 = arith.cmpi eq, %add3A, %eq3A : i32
    %broadcast_in_dim3A = arith.constant 0.000000e+00 : f32
    %broadcast_in_dim3A_2 = vector.broadcast %broadcast_in_dim3A : f32 to vector<16xf32>
    %not3A = arith.constant true
    %not3A_3 = arith.xori %eq3A_1, %not3A : i1
    %convert_element_type3A = arith.extui %not3A_3 : i1 to i32
    %cond3A = arith.constant 0 : i32
    %cond3A_4 = arith.cmpi ne, %convert_element_type3A, %cond3A : i32
    scf.if %cond3A_4 {
      %mul3A_8 = arith.constant 32000 : i32
      %mul3A_9 = arith.muli %add3A, %mul3A_8 : i32
      %add3A_10 = arith.constant 0 : i32
      %add3A_11 = arith.addi %mul3A_9, %add3A_10 : i32
      %dma_start3A = arith.constant 0 : i32
      %dma_start3A_12 = tpu.memref_slice %arg4[%dma_start3A] : memref<32000xf32, #tpu.memory_space<vmem>> -> memref<8000xf32, #tpu.memory_space<vmem>>
      %dma_start3A_13 = tpu.memref_slice %arg2[%add3A_11] : memref<1000000xf32, #tpu.memory_space<hbm>> -> memref<8000xf32, #tpu.memory_space<hbm>>
      %dma_start3A_14 = arith.constant 0 : i32
      %dma_start3A_15 = tpu.memref_slice %arg4[%dma_start3A_14] : memref<32000xf32, #tpu.memory_space<vmem>> -> memref<8000xf32, #tpu.memory_space<vmem>>
      %dma_start3A_16 = tpu.memref_slice %arg2[%add3A_11] : memref<1000000xf32, #tpu.memory_space<hbm>> -> memref<8000xf32, #tpu.memory_space<hbm>>
      tpu.enqueue_dma source(%dma_start3A_16 : memref<8000xf32, #tpu.memory_space<hbm>>) target(%dma_start3A_15 : memref<8000xf32, #tpu.memory_space<vmem>>) target_semaphore(%arg6 : memref<!tpu.dma_semaphore, #tpu.memory_space<semaphore_mem>>)
      %add3A_17 = arith.constant 8000 : i32
      %add3A_18 = arith.addi %mul3A_9, %add3A_17 : i32
      %dma_start3A_19 = arith.constant 8000 : i32
      %dma_start3A_20 = tpu.memref_slice %arg4[%dma_start3A_19] : memref<32000xf32, #tpu.memory_space<vmem>> -> memref<8000xf32, #tpu.memory_space<vmem>>
      %dma_start3A_21 = tpu.memref_slice %arg2[%add3A_18] : memref<1000000xf32, #tpu.memory_space<hbm>> -> memref<8000xf32, #tpu.memory_space<hbm>>
      %dma_start3A_22 = arith.constant 8000 : i32
      %dma_start3A_23 = tpu.memref_slice %arg4[%dma_start3A_22] : memref<32000xf32, #tpu.memory_space<vmem>> -> memref<8000xf32, #tpu.memory_space<vmem>>
      %dma_start3A_24 = tpu.memref_slice %arg2[%add3A_18] : memref<1000000xf32, #tpu.memory_space<hbm>> -> memref<8000xf32, #tpu.memory_space<hbm>>
      tpu.enqueue_dma source(%dma_start3A_24 : memref<8000xf32, #tpu.memory_space<hbm>>) target(%dma_start3A_23 : memref<8000xf32, #tpu.memory_space<vmem>>) target_semaphore(%arg7 : memref<!tpu.dma_semaphore, #tpu.memory_space<semaphore_mem>>)
      %add3A_25 = arith.constant 16000 : i32
      %add3A_26 = arith.addi %mul3A_9, %add3A_25 : i32
      %dma_start3A_27 = arith.constant 16000 : i32
      %dma_start3A_28 = tpu.memref_slice %arg4[%dma_start3A_27] : memref<32000xf32, #tpu.memory_space<vmem>> -> memref<8000xf32, #tpu.memory_space<vmem>>
      %dma_start3A_29 = tpu.memref_slice %arg2[%add3A_26] : memref<1000000xf32, #tpu.memory_space<hbm>> -> memref<8000xf32, #tpu.memory_space<hbm>>
      %dma_start3A_30 = arith.constant 16000 : i32
      %dma_start3A_31 = tpu.memref_slice %arg4[%dma_start3A_30] : memref<32000xf32, #tpu.memory_space<vmem>> -> memref<8000xf32, #tpu.memory_space<vmem>>
      %dma_start3A_32 = tpu.memref_slice %arg2[%add3A_26] : memref<1000000xf32, #tpu.memory_space<hbm>> -> memref<8000xf32, #tpu.memory_space<hbm>>
      tpu.enqueue_dma source(%dma_start3A_32 : memref<8000xf32, #tpu.memory_space<hbm>>) target(%dma_start3A_31 : memref<8000xf32, #tpu.memory_space<vmem>>) target_semaphore(%arg8 : memref<!tpu.dma_semaphore, #tpu.memory_space<semaphore_mem>>)
      %add3A_33 = arith.constant 24000 : i32
      %add3A_34 = arith.addi %mul3A_9, %add3A_33 : i32
      %dma_start3A_35 = arith.constant 24000 : i32
      %dma_start3A_36 = tpu.memref_slice %arg4[%dma_start3A_35] : memref<32000xf32, #tpu.memory_space<vmem>> -> memref<8000xf32, #tpu.memory_space<vmem>>
      %dma_start3A_37 = tpu.memref_slice %arg2[%add3A_34] : memref<1000000xf32, #tpu.memory_space<hbm>> -> memref<8000xf32, #tpu.memory_space<hbm>>
      %dma_start3A_38 = arith.constant 24000 : i32
      %dma_start3A_39 = tpu.memref_slice %arg4[%dma_start3A_38] : memref<32000xf32, #tpu.memory_space<vmem>> -> memref<8000xf32, #tpu.memory_space<vmem>>
      %dma_start3A_40 = tpu.memref_slice %arg2[%add3A_34] : memref<1000000xf32, #tpu.memory_space<hbm>> -> memref<8000xf32, #tpu.memory_space<hbm>>
      tpu.enqueue_dma source(%dma_start3A_40 : memref<8000xf32, #tpu.memory_space<hbm>>) target(%dma_start3A_39 : memref<8000xf32, #tpu.memory_space<vmem>>) target_semaphore(%arg9 : memref<!tpu.dma_semaphore, #tpu.memory_space<semaphore_mem>>)
      %dma_wait3A = arith.constant 0 : i32
      %dma_wait3A_41 = tpu.memref_slice %arg4[%dma_wait3A] : memref<32000xf32, #tpu.memory_space<vmem>> -> memref<8000xf32, #tpu.memory_space<vmem>>
      %dma_wait3A_42 = tpu.memref_slice %arg2[%add3A_11] : memref<1000000xf32, #tpu.memory_space<hbm>> -> memref<8000xf32, #tpu.memory_space<hbm>>
      %dma_wait3A_43 = arith.constant 0 : i32
      %dma_wait3A_44 = tpu.memref_slice %arg4[%dma_wait3A_43] : memref<32000xf32, #tpu.memory_space<vmem>> -> memref<8000xf32, #tpu.memory_space<vmem>>
      %dma_wait3A_45 = tpu.memref_slice %arg2[%add3A_11] : memref<1000000xf32, #tpu.memory_space<hbm>> -> memref<8000xf32, #tpu.memory_space<hbm>>
      tpu.wait_dma2 semaphore(%arg6 : memref<!tpu.dma_semaphore, #tpu.memory_space<semaphore_mem>>) src(%dma_wait3A_45 : memref<8000xf32, #tpu.memory_space<hbm>>) dst(%dma_wait3A_44 : memref<8000xf32, #tpu.memory_space<vmem>>)
      %scan3A = arith.constant 0 : i32
      %scan3A_46 = arith.constant 125 : i32
      %scan3A_47 = arith.addi %scan3A, %scan3A_46 : i32
      %scan3A_48 = arith.constant 1 : i32
      %scan3A_49:4 = scf.for %scan3A_93 = %scan3A to %scan3A_47 step %scan3A_48 iter_args(%scan3A_94 = %broadcast_in_dim3A_2, %scan3A_95 = %broadcast_in_dim3A_2, %scan3A_96 = %broadcast_in_dim3A_2, %scan3A_97 = %broadcast_in_dim3A_2) -> (vector<16xf32>, vector<16xf32>, vector<16xf32>, vector<16xf32>)  : i32 {
        %mul3A_98 = arith.constant 64 : i32
        %mul3A_99 = arith.muli %scan3A_93, %mul3A_98 : i32
        %add3A_100 = arith.constant 0 : i32
        %add3A_101 = arith.addi %add3A_100, %mul3A_99 : i32
        %add3A_102 = arith.constant 0 : i32
        %add3A_103 = arith.addi %add3A_101, %add3A_102 : i32
        %get3A = arith.index_cast %add3A_103 : i32 to index
        %get3A_104 = tpu.vector_load %arg4[%get3A] {strides = array<i32>} : memref<32000xf32, #tpu.memory_space<vmem>>, vector<16xf32>,
        %get3A_105 = vector.shape_cast %get3A_104 : vector<16xf32> to vector<16xf32>
        %exp3A = math.exp %get3A_105 : vector<16xf32>
        %add3A_106 = arith.addf %scan3A_94, %exp3A : vector<16xf32>
        %add3A_107 = arith.constant 16 : i32
        %add3A_108 = arith.addi %add3A_101, %add3A_107 : i32
        %get3A_109 = arith.index_cast %add3A_108 : i32 to index
        %get3A_110 = tpu.vector_load %arg4[%get3A_109] {strides = array<i32>} : memref<32000xf32, #tpu.memory_space<vmem>>, vector<16xf32>,
        %get3A_111 = vector.shape_cast %get3A_110 : vector<16xf32> to vector<16xf32>
        %exp3A_112 = math.exp %get3A_111 : vector<16xf32>
        %add3A_113 = arith.addf %scan3A_95, %exp3A_112 : vector<16xf32>
        %add3A_114 = arith.constant 32 : i32
        %add3A_115 = arith.addi %add3A_101, %add3A_114 : i32
        %get3A_116 = arith.index_cast %add3A_115 : i32 to index
        %get3A_117 = tpu.vector_load %arg4[%get3A_116] {strides = array<i32>} : memref<32000xf32, #tpu.memory_space<vmem>>, vector<16xf32>,
        %get3A_118 = vector.shape_cast %get3A_117 : vector<16xf32> to vector<16xf32>
        %exp3A_119 = math.exp %get3A_118 : vector<16xf32>
        %add3A_120 = arith.addf %scan3A_96, %exp3A_119 : vector<16xf32>
        %add3A_121 = arith.constant 48 : i32
        %add3A_122 = arith.addi %add3A_101, %add3A_121 : i32
        %get3A_123 = arith.index_cast %add3A_122 : i32 to index
        %get3A_124 = tpu.vector_load %arg4[%get3A_123] {strides = array<i32>} : memref<32000xf32, #tpu.memory_space<vmem>>, vector<16xf32>,
        %get3A_125 = vector.shape_cast %get3A_124 : vector<16xf32> to vector<16xf32>
        %exp3A_126 = math.exp %get3A_125 : vector<16xf32>
        %add3A_127 = arith.addf %scan3A_97, %exp3A_126 : vector<16xf32>
        scf.yield %add3A_106, %add3A_113, %add3A_120, %add3A_127 : vector<16xf32>, vector<16xf32>, vector<16xf32>, vector<16xf32>
      }
      %scan3A_50 = arith.constant 125 : i32
      %dma_wait3A_51 = arith.constant 8000 : i32
      %dma_wait3A_52 = tpu.memref_slice %arg4[%dma_wait3A_51] : memref<32000xf32, #tpu.memory_space<vmem>> -> memref<8000xf32, #tpu.memory_space<vmem>>
      %dma_wait3A_53 = tpu.memref_slice %arg2[%add3A_18] : memref<1000000xf32, #tpu.memory_space<hbm>> -> memref<8000xf32, #tpu.memory_space<hbm>>
      %dma_wait3A_54 = arith.constant 8000 : i32
      %dma_wait3A_55 = tpu.memref_slice %arg4[%dma_wait3A_54] : memref<32000xf32, #tpu.memory_space<vmem>> -> memref<8000xf32, #tpu.memory_space<vmem>>
      %dma_wait3A_56 = tpu.memref_slice %arg2[%add3A_18] : memref<1000000xf32, #tpu.memory_space<hbm>> -> memref<8000xf32, #tpu.memory_space<hbm>>
      tpu.wait_dma2 semaphore(%arg7 : memref<!tpu.dma_semaphore, #tpu.memory_space<semaphore_mem>>) src(%dma_wait3A_56 : memref<8000xf32, #tpu.memory_space<hbm>>) dst(%dma_wait3A_55 : memref<8000xf32, #tpu.memory_space<vmem>>)
      %scan3A_57 = arith.constant 0 : i32
      %scan3A_58 = arith.constant 125 : i32
      %scan3A_59 = arith.addi %scan3A_57, %scan3A_58 : i32
      %scan3A_60 = arith.constant 1 : i32
      %scan3A_61:4 = scf.for %scan3A_93 = %scan3A_57 to %scan3A_59 step %scan3A_60 iter_args(%scan3A_94 = %scan3A_49#0, %scan3A_95 = %scan3A_49#1, %scan3A_96 = %scan3A_49#2, %scan3A_97 = %scan3A_49#3) -> (vector<16xf32>, vector<16xf32>, vector<16xf32>, vector<16xf32>)  : i32 {
        %mul3A_98 = arith.constant 64 : i32
        %mul3A_99 = arith.muli %scan3A_93, %mul3A_98 : i32
        %add3A_100 = arith.constant 8000 : i32
        %add3A_101 = arith.addi %add3A_100, %mul3A_99 : i32
        %add3A_102 = arith.constant 0 : i32
        %add3A_103 = arith.addi %add3A_101, %add3A_102 : i32
        %get3A = arith.index_cast %add3A_103 : i32 to index
        %get3A_104 = tpu.vector_load %arg4[%get3A] {strides = array<i32>} : memref<32000xf32, #tpu.memory_space<vmem>>, vector<16xf32>,
        %get3A_105 = vector.shape_cast %get3A_104 : vector<16xf32> to vector<16xf32>
        %exp3A = math.exp %get3A_105 : vector<16xf32>
        %add3A_106 = arith.addf %scan3A_94, %exp3A : vector<16xf32>
        %add3A_107 = arith.constant 16 : i32
        %add3A_108 = arith.addi %add3A_101, %add3A_107 : i32
        %get3A_109 = arith.index_cast %add3A_108 : i32 to index
        %get3A_110 = tpu.vector_load %arg4[%get3A_109] {strides = array<i32>} : memref<32000xf32, #tpu.memory_space<vmem>>, vector<16xf32>,
        %get3A_111 = vector.shape_cast %get3A_110 : vector<16xf32> to vector<16xf32>
        %exp3A_112 = math.exp %get3A_111 : vector<16xf32>
        %add3A_113 = arith.addf %scan3A_95, %exp3A_112 : vector<16xf32>
        %add3A_114 = arith.constant 32 : i32
        %add3A_115 = arith.addi %add3A_101, %add3A_114 : i32
        %get3A_116 = arith.index_cast %add3A_115 : i32 to index
        %get3A_117 = tpu.vector_load %arg4[%get3A_116] {strides = array<i32>} : memref<32000xf32, #tpu.memory_space<vmem>>, vector<16xf32>,
        %get3A_118 = vector.shape_cast %get3A_117 : vector<16xf32> to vector<16xf32>
        %exp3A_119 = math.exp %get3A_118 : vector<16xf32>
        %add3A_120 = arith.addf %scan3A_96, %exp3A_119 : vector<16xf32>
        %add3A_121 = arith.constant 48 : i32
        %add3A_122 = arith.addi %add3A_101, %add3A_121 : i32
        %get3A_123 = arith.index_cast %add3A_122 : i32 to index
        %get3A_124 = tpu.vector_load %arg4[%get3A_123] {strides = array<i32>} : memref<32000xf32, #tpu.memory_space<vmem>>, vector<16xf32>,
        %get3A_125 = vector.shape_cast %get3A_124 : vector<16xf32> to vector<16xf32>
        %exp3A_126 = math.exp %get3A_125 : vector<16xf32>
        %add3A_127 = arith.addf %scan3A_97, %exp3A_126 : vector<16xf32>
        scf.yield %add3A_106, %add3A_113, %add3A_120, %add3A_127 : vector<16xf32>, vector<16xf32>, vector<16xf32>, vector<16xf32>
      }
      %scan3A_62 = arith.constant 125 : i32
      %dma_wait3A_63 = arith.constant 16000 : i32
      %dma_wait3A_64 = tpu.memref_slice %arg4[%dma_wait3A_63] : memref<32000xf32, #tpu.memory_space<vmem>> -> memref<8000xf32, #tpu.memory_space<vmem>>
      %dma_wait3A_65 = tpu.memref_slice %arg2[%add3A_26] : memref<1000000xf32, #tpu.memory_space<hbm>> -> memref<8000xf32, #tpu.memory_space<hbm>>
      %dma_wait3A_66 = arith.constant 16000 : i32
      %dma_wait3A_67 = tpu.memref_slice %arg4[%dma_wait3A_66] : memref<32000xf32, #tpu.memory_space<vmem>> -> memref<8000xf32, #tpu.memory_space<vmem>>
      %dma_wait3A_68 = tpu.memref_slice %arg2[%add3A_26] : memref<1000000xf32, #tpu.memory_space<hbm>> -> memref<8000xf32, #tpu.memory_space<hbm>>
      tpu.wait_dma2 semaphore(%arg8 : memref<!tpu.dma_semaphore, #tpu.memory_space<semaphore_mem>>) src(%dma_wait3A_68 : memref<8000xf32, #tpu.memory_space<hbm>>) dst(%dma_wait3A_67 : memref<8000xf32, #tpu.memory_space<vmem>>)
      %scan3A_69 = arith.constant 0 : i32
      %scan3A_70 = arith.constant 125 : i32
      %scan3A_71 = arith.addi %scan3A_69, %scan3A_70 : i32
      %scan3A_72 = arith.constant 1 : i32
      %scan3A_73:4 = scf.for %scan3A_93 = %scan3A_69 to %scan3A_71 step %scan3A_72 iter_args(%scan3A_94 = %scan3A_61#0, %scan3A_95 = %scan3A_61#1, %scan3A_96 = %scan3A_61#2, %scan3A_97 = %scan3A_61#3) -> (vector<16xf32>, vector<16xf32>, vector<16xf32>, vector<16xf32>)  : i32 {
        %mul3A_98 = arith.constant 64 : i32
        %mul3A_99 = arith.muli %scan3A_93, %mul3A_98 : i32
        %add3A_100 = arith.constant 16000 : i32
        %add3A_101 = arith.addi %add3A_100, %mul3A_99 : i32
        %add3A_102 = arith.constant 0 : i32
        %add3A_103 = arith.addi %add3A_101, %add3A_102 : i32
        %get3A = arith.index_cast %add3A_103 : i32 to index
        %get3A_104 = tpu.vector_load %arg4[%get3A] {strides = array<i32>} : memref<32000xf32, #tpu.memory_space<vmem>>, vector<16xf32>,
        %get3A_105 = vector.shape_cast %get3A_104 : vector<16xf32> to vector<16xf32>
        %exp3A = math.exp %get3A_105 : vector<16xf32>
        %add3A_106 = arith.addf %scan3A_94, %exp3A : vector<16xf32>
        %add3A_107 = arith.constant 16 : i32
        %add3A_108 = arith.addi %add3A_101, %add3A_107 : i32
        %get3A_109 = arith.index_cast %add3A_108 : i32 to index
        %get3A_110 = tpu.vector_load %arg4[%get3A_109] {strides = array<i32>} : memref<32000xf32, #tpu.memory_space<vmem>>, vector<16xf32>,
        %get3A_111 = vector.shape_cast %get3A_110 : vector<16xf32> to vector<16xf32>
        %exp3A_112 = math.exp %get3A_111 : vector<16xf32>
        %add3A_113 = arith.addf %scan3A_95, %exp3A_112 : vector<16xf32>
        %add3A_114 = arith.constant 32 : i32
        %add3A_115 = arith.addi %add3A_101, %add3A_114 : i32
        %get3A_116 = arith.index_cast %add3A_115 : i32 to index
        %get3A_117 = tpu.vector_load %arg4[%get3A_116] {strides = array<i32>} : memref<32000xf32, #tpu.memory_space<vmem>>, vector<16xf32>,
        %get3A_118 = vector.shape_cast %get3A_117 : vector<16xf32> to vector<16xf32>
        %exp3A_119 = math.exp %get3A_118 : vector<16xf32>
        %add3A_120 = arith.addf %scan3A_96, %exp3A_119 : vector<16xf32>
        %add3A_121 = arith.constant 48 : i32
        %add3A_122 = arith.addi %add3A_101, %add3A_121 : i32
        %get3A_123 = arith.index_cast %add3A_122 : i32 to index
        %get3A_124 = tpu.vector_load %arg4[%get3A_123] {strides = array<i32>} : memref<32000xf32, #tpu.memory_space<vmem>>, vector<16xf32>,
        %get3A_125 = vector.shape_cast %get3A_124 : vector<16xf32> to vector<16xf32>
        %exp3A_126 = math.exp %get3A_125 : vector<16xf32>
        %add3A_127 = arith.addf %scan3A_97, %exp3A_126 : vector<16xf32>
        scf.yield %add3A_106, %add3A_113, %add3A_120, %add3A_127 : vector<16xf32>, vector<16xf32>, vector<16xf32>, vector<16xf32>
      }
      %scan3A_74 = arith.constant 125 : i32
      %dma_wait3A_75 = arith.constant 24000 : i32
      %dma_wait3A_76 = tpu.memref_slice %arg4[%dma_wait3A_75] : memref<32000xf32, #tpu.memory_space<vmem>> -> memref<8000xf32, #tpu.memory_space<vmem>>
      %dma_wait3A_77 = tpu.memref_slice %arg2[%add3A_34] : memref<1000000xf32, #tpu.memory_space<hbm>> -> memref<8000xf32, #tpu.memory_space<hbm>>
      %dma_wait3A_78 = arith.constant 24000 : i32
      %dma_wait3A_79 = tpu.memref_slice %arg4[%dma_wait3A_78] : memref<32000xf32, #tpu.memory_space<vmem>> -> memref<8000xf32, #tpu.memory_space<vmem>>
      %dma_wait3A_80 = tpu.memref_slice %arg2[%add3A_34] : memref<1000000xf32, #tpu.memory_space<hbm>> -> memref<8000xf32, #tpu.memory_space<hbm>>
      tpu.wait_dma2 semaphore(%arg9 : memref<!tpu.dma_semaphore, #tpu.memory_space<semaphore_mem>>) src(%dma_wait3A_80 : memref<8000xf32, #tpu.memory_space<hbm>>) dst(%dma_wait3A_79 : memref<8000xf32, #tpu.memory_space<vmem>>)
      %scan3A_81 = arith.constant 0 : i32
      %scan3A_82 = arith.constant 125 : i32
      %scan3A_83 = arith.addi %scan3A_81, %scan3A_82 : i32
      %scan3A_84 = arith.constant 1 : i32
      %scan3A_85:4 = scf.for %scan3A_93 = %scan3A_81 to %scan3A_83 step %scan3A_84 iter_args(%scan3A_94 = %scan3A_73#0, %scan3A_95 = %scan3A_73#1, %scan3A_96 = %scan3A_73#2, %scan3A_97 = %scan3A_73#3) -> (vector<16xf32>, vector<16xf32>, vector<16xf32>, vector<16xf32>)  : i32 {
        %mul3A_98 = arith.constant 64 : i32
        %mul3A_99 = arith.muli %scan3A_93, %mul3A_98 : i32
        %add3A_100 = arith.constant 24000 : i32
        %add3A_101 = arith.addi %add3A_100, %mul3A_99 : i32
        %add3A_102 = arith.constant 0 : i32
        %add3A_103 = arith.addi %add3A_101, %add3A_102 : i32
        %get3A = arith.index_cast %add3A_103 : i32 to index
        %get3A_104 = tpu.vector_load %arg4[%get3A] {strides = array<i32>} : memref<32000xf32, #tpu.memory_space<vmem>>, vector<16xf32>,
        %get3A_105 = vector.shape_cast %get3A_104 : vector<16xf32> to vector<16xf32>
        %exp3A = math.exp %get3A_105 : vector<16xf32>
        %add3A_106 = arith.addf %scan3A_94, %exp3A : vector<16xf32>
        %add3A_107 = arith.constant 16 : i32
        %add3A_108 = arith.addi %add3A_101, %add3A_107 : i32
        %get3A_109 = arith.index_cast %add3A_108 : i32 to index
        %get3A_110 = tpu.vector_load %arg4[%get3A_109] {strides = array<i32>} : memref<32000xf32, #tpu.memory_space<vmem>>, vector<16xf32>,
        %get3A_111 = vector.shape_cast %get3A_110 : vector<16xf32> to vector<16xf32>
        %exp3A_112 = math.exp %get3A_111 : vector<16xf32>
        %add3A_113 = arith.addf %scan3A_95, %exp3A_112 : vector<16xf32>
        %add3A_114 = arith.constant 32 : i32
        %add3A_115 = arith.addi %add3A_101, %add3A_114 : i32
        %get3A_116 = arith.index_cast %add3A_115 : i32 to index
        %get3A_117 = tpu.vector_load %arg4[%get3A_116] {strides = array<i32>} : memref<32000xf32, #tpu.memory_space<vmem>>, vector<16xf32>,
        %get3A_118 = vector.shape_cast %get3A_117 : vector<16xf32> to vector<16xf32>
        %exp3A_119 = math.exp %get3A_118 : vector<16xf32>
        %add3A_120 = arith.addf %scan3A_96, %exp3A_119 : vector<16xf32>
        %add3A_121 = arith.constant 48 : i32
        %add3A_122 = arith.addi %add3A_101, %add3A_121 : i32
        %get3A_123 = arith.index_cast %add3A_122 : i32 to index
        %get3A_124 = tpu.vector_load %arg4[%get3A_123] {strides = array<i32>} : memref<32000xf32, #tpu.memory_space<vmem>>, vector<16xf32>,
        %get3A_125 = vector.shape_cast %get3A_124 : vector<16xf32> to vector<16xf32>
        %exp3A_126 = math.exp %get3A_125 : vector<16xf32>
        %add3A_127 = arith.addf %scan3A_97, %exp3A_126 : vector<16xf32>
        scf.yield %add3A_106, %add3A_113, %add3A_120, %add3A_127 : vector<16xf32>, vector<16xf32>, vector<16xf32>, vector<16xf32>
      }
      %scan3A_86 = arith.constant 125 : i32
      %add3A_87 = arith.addf %scan3A_85#0, %scan3A_85#1 : vector<16xf32>
      %add3A_88 = arith.addf %scan3A_85#2, %scan3A_85#3 : vector<16xf32>
      %add3A_89 = arith.addf %add3A_87, %add3A_88 : vector<16xf32>
      %swap3A = arith.constant 0 : index
      %swap3A_90 = tpu.vector_load %arg5[%swap3A] {strides = array<i32>} : memref<16xf32, #tpu.memory_space<vmem>>, vector<16xf32>,
      %swap3A_91 = vector.shape_cast %swap3A_90 : vector<16xf32> to vector<16xf32>
      %swap3A_92 = vector.shape_cast %add3A_89 : vector<16xf32> to vector<16xf32>
      tpu.vector_store %arg5[%swap3A], %swap3A_92 {strides = array<i32>} : memref<16xf32, #tpu.memory_space<vmem>>, vector<16xf32>,
    } else {
    }
    %convert_element_type3A_5 = arith.extui %eq3A_1 : i1 to i32
    %cond3A_6 = arith.constant 0 : i32
    %cond3A_7 = arith.cmpi ne, %convert_element_type3A_5, %cond3A_6 : i32
    scf.if %cond3A_7 {
      %dma_start3A = arith.constant 0 : i32
      %dma_start3A_8 = tpu.memref_slice %arg4[%dma_start3A] : memref<32000xf32, #tpu.memory_space<vmem>> -> memref<8000xf32, #tpu.memory_space<vmem>>
      %dma_start3A_9 = arith.constant 992000 : i32
      %dma_start3A_10 = tpu.memref_slice %arg2[%dma_start3A_9] : memref<1000000xf32, #tpu.memory_space<hbm>> -> memref<8000xf32, #tpu.memory_space<hbm>>
      %dma_start3A_11 = arith.constant 0 : i32
      %dma_start3A_12 = tpu.memref_slice %arg4[%dma_start3A_11] : memref<32000xf32, #tpu.memory_space<vmem>> -> memref<8000xf32, #tpu.memory_space<vmem>>
      %dma_start3A_13 = arith.constant 992000 : i32
      %dma_start3A_14 = tpu.memref_slice %arg2[%dma_start3A_13] : memref<1000000xf32, #tpu.memory_space<hbm>> -> memref<8000xf32, #tpu.memory_space<hbm>>
      tpu.enqueue_dma source(%dma_start3A_14 : memref<8000xf32, #tpu.memory_space<hbm>>) target(%dma_start3A_12 : memref<8000xf32, #tpu.memory_space<vmem>>) target_semaphore(%arg6 : memref<!tpu.dma_semaphore, #tpu.memory_space<semaphore_mem>>)
      %dma_wait3A = arith.constant 0 : i32
      %dma_wait3A_15 = tpu.memref_slice %arg4[%dma_wait3A] : memref<32000xf32, #tpu.memory_space<vmem>> -> memref<8000xf32, #tpu.memory_space<vmem>>
      %dma_wait3A_16 = arith.constant 992000 : i32
      %dma_wait3A_17 = tpu.memref_slice %arg2[%dma_wait3A_16] : memref<1000000xf32, #tpu.memory_space<hbm>> -> memref<8000xf32, #tpu.memory_space<hbm>>
      %dma_wait3A_18 = arith.constant 0 : i32
      %dma_wait3A_19 = tpu.memref_slice %arg4[%dma_wait3A_18] : memref<32000xf32, #tpu.memory_space<vmem>> -> memref<8000xf32, #tpu.memory_space<vmem>>
      %dma_wait3A_20 = arith.constant 992000 : i32
      %dma_wait3A_21 = tpu.memref_slice %arg2[%dma_wait3A_20] : memref<1000000xf32, #tpu.memory_space<hbm>> -> memref<8000xf32, #tpu.memory_space<hbm>>
      tpu.wait_dma2 semaphore(%arg6 : memref<!tpu.dma_semaphore, #tpu.memory_space<semaphore_mem>>) src(%dma_wait3A_21 : memref<8000xf32, #tpu.memory_space<hbm>>) dst(%dma_wait3A_19 : memref<8000xf32, #tpu.memory_space<vmem>>)
      %scan3A = arith.constant 0 : i32
      %scan3A_22 = arith.constant 125 : i32
      %scan3A_23 = arith.addi %scan3A, %scan3A_22 : i32
      %scan3A_24 = arith.constant 1 : i32
      %scan3A_25:4 = scf.for %scan3A_33 = %scan3A to %scan3A_23 step %scan3A_24 iter_args(%scan3A_34 = %broadcast_in_dim3A_2, %scan3A_35 = %broadcast_in_dim3A_2, %scan3A_36 = %broadcast_in_dim3A_2, %scan3A_37 = %broadcast_in_dim3A_2) -> (vector<16xf32>, vector<16xf32>, vector<16xf32>, vector<16xf32>)  : i32 {
        %mul3A_38 = arith.constant 64 : i32
        %mul3A_39 = arith.muli %scan3A_33, %mul3A_38 : i32
        %add3A_40 = arith.constant 0 : i32
        %add3A_41 = arith.addi %add3A_40, %mul3A_39 : i32
        %add3A_42 = arith.constant 0 : i32
        %add3A_43 = arith.addi %add3A_41, %add3A_42 : i32
        %get3A = arith.index_cast %add3A_43 : i32 to index
        %get3A_44 = tpu.vector_load %arg4[%get3A] {strides = array<i32>} : memref<32000xf32, #tpu.memory_space<vmem>>, vector<16xf32>,
        %get3A_45 = vector.shape_cast %get3A_44 : vector<16xf32> to vector<16xf32>
        %exp3A = math.exp %get3A_45 : vector<16xf32>
        %add3A_46 = arith.addf %scan3A_34, %exp3A : vector<16xf32>
        %add3A_47 = arith.constant 16 : i32
        %add3A_48 = arith.addi %add3A_41, %add3A_47 : i32
        %get3A_49 = arith.index_cast %add3A_48 : i32 to index
        %get3A_50 = tpu.vector_load %arg4[%get3A_49] {strides = array<i32>} : memref<32000xf32, #tpu.memory_space<vmem>>, vector<16xf32>,
        %get3A_51 = vector.shape_cast %get3A_50 : vector<16xf32> to vector<16xf32>
        %exp3A_52 = math.exp %get3A_51 : vector<16xf32>
        %add3A_53 = arith.addf %scan3A_35, %exp3A_52 : vector<16xf32>
        %add3A_54 = arith.constant 32 : i32
        %add3A_55 = arith.addi %add3A_41, %add3A_54 : i32
        %get3A_56 = arith.index_cast %add3A_55 : i32 to index
        %get3A_57 = tpu.vector_load %arg4[%get3A_56] {strides = array<i32>} : memref<32000xf32, #tpu.memory_space<vmem>>, vector<16xf32>,
        %get3A_58 = vector.shape_cast %get3A_57 : vector<16xf32> to vector<16xf32>
        %exp3A_59 = math.exp %get3A_58 : vector<16xf32>
        %add3A_60 = arith.addf %scan3A_36, %exp3A_59 : vector<16xf32>
        %add3A_61 = arith.constant 48 : i32
        %add3A_62 = arith.addi %add3A_41, %add3A_61 : i32
        %get3A_63 = arith.index_cast %add3A_62 : i32 to index
        %get3A_64 = tpu.vector_load %arg4[%get3A_63] {strides = array<i32>} : memref<32000xf32, #tpu.memory_space<vmem>>, vector<16xf32>,
        %get3A_65 = vector.shape_cast %get3A_64 : vector<16xf32> to vector<16xf32>
        %exp3A_66 = math.exp %get3A_65 : vector<16xf32>
        %add3A_67 = arith.addf %scan3A_37, %exp3A_66 : vector<16xf32>
        scf.yield %add3A_46, %add3A_53, %add3A_60, %add3A_67 : vector<16xf32>, vector<16xf32>, vector<16xf32>, vector<16xf32>
      }
      %scan3A_26 = arith.constant 125 : i32
      %add3A_27 = arith.addf %scan3A_25#0, %scan3A_25#1 : vector<16xf32>
      %add3A_28 = arith.addf %scan3A_25#2, %scan3A_25#3 : vector<16xf32>
      %add3A_29 = arith.addf %add3A_27, %add3A_28 : vector<16xf32>
      %swap3A = arith.constant 0 : index
      %swap3A_30 = tpu.vector_load %arg5[%swap3A] {strides = array<i32>} : memref<16xf32, #tpu.memory_space<vmem>>, vector<16xf32>,
      %swap3A_31 = vector.shape_cast %swap3A_30 : vector<16xf32> to vector<16xf32>
      %swap3A_32 = vector.shape_cast %add3A_29 : vector<16xf32> to vector<16xf32>
      tpu.vector_store %arg5[%swap3A], %swap3A_32 {strides = array<i32>} : memref<16xf32, #tpu.memory_space<vmem>>, vector<16xf32>,
    } else {
    }
    "tpu.region"() ({
      %run_scoped3A = tpu.sem_alloc : memref<!tpu.dma_semaphore, #tpu.memory_space<semaphore_mem>>
      %dma_start3A = arith.constant 0 : i32
      %dma_start3A_8 = tpu.memref_slice %arg3[%add3A, %dma_start3A] : memref<32x16xf32, #tpu.memory_space<hbm>> -> memref<1x16xf32, #tpu.memory_space<hbm>>
      %dma_start3A_9 = tpu.memref_squeeze %dma_start3A_8 : memref<1x16xf32, #tpu.memory_space<hbm>> -> memref<16xf32, #tpu.memory_space<hbm>>
      %dma_start3A_10 = arith.constant 0 : i32
      %dma_start3A_11 = tpu.memref_slice %arg3[%add3A, %dma_start3A_10] : memref<32x16xf32, #tpu.memory_space<hbm>> -> memref<1x16xf32, #tpu.memory_space<hbm>>
      %dma_start3A_12 = tpu.memref_squeeze %dma_start3A_11 : memref<1x16xf32, #tpu.memory_space<hbm>> -> memref<16xf32, #tpu.memory_space<hbm>>
      tpu.enqueue_dma source(%arg5 : memref<16xf32, #tpu.memory_space<vmem>>) target(%dma_start3A_12 : memref<16xf32, #tpu.memory_space<hbm>>) target_semaphore(%run_scoped3A : memref<!tpu.dma_semaphore, #tpu.memory_space<semaphore_mem>>)
      %dma_wait3A = arith.constant 0 : i32
      %dma_wait3A_13 = tpu.memref_slice %arg3[%add3A, %dma_wait3A] : memref<32x16xf32, #tpu.memory_space<hbm>> -> memref<1x16xf32, #tpu.memory_space<hbm>>
      %dma_wait3A_14 = tpu.memref_squeeze %dma_wait3A_13 : memref<1x16xf32, #tpu.memory_space<hbm>> -> memref<16xf32, #tpu.memory_space<hbm>>
      %dma_wait3A_15 = arith.constant 0 : i32
      %dma_wait3A_16 = tpu.memref_slice %arg3[%add3A, %dma_wait3A_15] : memref<32x16xf32, #tpu.memory_space<hbm>> -> memref<1x16xf32, #tpu.memory_space<hbm>>
      %dma_wait3A_17 = tpu.memref_squeeze %dma_wait3A_16 : memref<1x16xf32, #tpu.memory_space<hbm>> -> memref<16xf32, #tpu.memory_space<hbm>>
      tpu.wait_dma2 semaphore(%run_scoped3A : memref<!tpu.dma_semaphore, #tpu.memory_space<semaphore_mem>>) src(%arg5 : memref<16xf32, #tpu.memory_space<vmem>>) dst(%dma_wait3A_17 : memref<16xf32, #tpu.memory_space<hbm>>)
      tpu.yield
    }) : () -> ()
    return
  }
}

module attributes {stable_mosaic.version = 14 : i64} {
  func.func @_tc_argmax_body(%arg0: i32, %arg1: memref<131072xf32, #tpu.memory_space<vmem>>, %arg2: memref<131072xf32, #tpu.memory_space<vmem>>, %arg3: memref<1xi32, #tpu.memory_space<smem>>, %arg4: memref<1xf32, #tpu.memory_space<smem>>, %arg5: memref<131072xf32, #tpu.memory_space<vmem>>, %arg6: memref<131072xf32, #tpu.memory_space<vmem>>, %arg7: memref<131072xf32, #tpu.memory_space<vmem>>, %arg8: memref<131072xf32, #tpu.memory_space<vmem>>) attributes {dimension_semantics = [#tpu.dimension_semantics<arbitrary>], iteration_bounds = array<i64: 8>, scalar_prefetch = 0 : i64, scratch_operands = 4 : i64, tpu.core_type = #tpu.core_type<tc>, window_params = [{transform_indices = @transform_0, window_bounds = array<i64: 131072>}, {transform_indices = @transform_1, window_bounds = array<i64: 131072>}, {transform_indices = @transform_2, window_bounds = array<i64: 1>}, {transform_indices = @transform_3, window_bounds = array<i64: 1>}]} {
    %eq3A = arith.constant 0 : i32
    %eq3A_0 = arith.cmpi eq, %arg0, %eq3A : i32
    %convert_element_type3A = arith.extui %eq3A_0 : i1 to i32
    %cond3A = arith.constant 0 : i32
    %cond3A_1 = arith.cmpi ne, %convert_element_type3A, %cond3A : i32
    scf.if %cond3A_1 {
      %iota3A = tpu.iota {dimensions = array<i32: 1>} : vector<1x131072xi32>
      %iota3A_46 = vector.shape_cast %iota3A : vector<1x131072xi32> to vector<131072xi32>
      %convert_element_type3A_47 = arith.sitofp %iota3A_46 : vector<131072xi32> to vector<131072xf32>
      %swap3A_48 = arith.constant 0 : index
      %swap3A_49 = vector.load %arg5[%swap3A_48] : memref<131072xf32, #tpu.memory_space<vmem>>, vector<131072xf32>
      tpu.vector_store %arg5[%swap3A_48], %convert_element_type3A_47 {strides = array<i32>} : memref<131072xf32, #tpu.memory_space<vmem>>, vector<131072xf32>,
      %broadcast_in_dim3A_50 = arith.constant 0xFF800000 : f32
      %broadcast_in_dim3A_51 = vector.broadcast %broadcast_in_dim3A_50 : f32 to vector<131072xf32>
      %swap3A_52 = arith.constant 0 : index
      %swap3A_53 = vector.load %arg6[%swap3A_52] : memref<131072xf32, #tpu.memory_space<vmem>>, vector<131072xf32>
      tpu.vector_store %arg6[%swap3A_52], %broadcast_in_dim3A_51 {strides = array<i32>} : memref<131072xf32, #tpu.memory_space<vmem>>, vector<131072xf32>,
      %broadcast_in_dim3A_54 = arith.constant 0.000000e+00 : f32
      %broadcast_in_dim3A_55 = vector.broadcast %broadcast_in_dim3A_54 : f32 to vector<131072xf32>
      %swap3A_56 = arith.constant 0 : index
      %swap3A_57 = vector.load %arg7[%swap3A_56] : memref<131072xf32, #tpu.memory_space<vmem>>, vector<131072xf32>
      tpu.vector_store %arg7[%swap3A_56], %broadcast_in_dim3A_55 {strides = array<i32>} : memref<131072xf32, #tpu.memory_space<vmem>>, vector<131072xf32>,
      %broadcast_in_dim3A_58 = arith.constant 0.000000e+00 : f32
      %broadcast_in_dim3A_59 = vector.broadcast %broadcast_in_dim3A_58 : f32 to vector<131072xf32>
      %swap3A_60 = arith.constant 0 : index
      %swap3A_61 = vector.load %arg8[%swap3A_60] : memref<131072xf32, #tpu.memory_space<vmem>>, vector<131072xf32>
      tpu.vector_store %arg8[%swap3A_60], %broadcast_in_dim3A_59 {strides = array<i32>} : memref<131072xf32, #tpu.memory_space<vmem>>, vector<131072xf32>,
    } else {
    }
    %mul3A = arith.constant 131072 : i32
    %mul3A_2 = arith.muli %arg0, %mul3A : i32
    %convert_element_type3A_3 = arith.sitofp %mul3A_2 : i32 to f32
    %get3A = arith.constant 0 : index
    %get3A_4 = vector.load %arg5[%get3A] : memref<131072xf32, #tpu.memory_space<vmem>>, vector<131072xf32>
    %get3A_5 = arith.constant 0 : index
    %get3A_6 = vector.load %arg1[%get3A_5] : memref<131072xf32, #tpu.memory_space<vmem>>, vector<131072xf32>
    %get3A_7 = arith.constant 0 : index
    %get3A_8 = vector.load %arg2[%get3A_7] : memref<131072xf32, #tpu.memory_space<vmem>>, vector<131072xf32>
    %add3A = arith.constant 9.99999996E-13 : f32
    %add3A_9 = vector.broadcast %add3A : f32 to vector<131072xf32>
    %add3A_10 = arith.addf %get3A_8, %add3A_9 : vector<131072xf32>
    %log3A = math.log %add3A_10 : vector<131072xf32>
    %neg3A = arith.constant 0.000000e+00 : f32
    %neg3A_11 = vector.broadcast %neg3A : f32 to vector<131072xf32>
    %neg3A_12 = arith.subf %neg3A_11, %log3A : vector<131072xf32>
    %add3A_13 = arith.constant 9.99999996E-13 : f32
    %add3A_14 = vector.broadcast %add3A_13 : f32 to vector<131072xf32>
    %add3A_15 = arith.addf %neg3A_12, %add3A_14 : vector<131072xf32>
    %log3A_16 = math.log %add3A_15 : vector<131072xf32>
    %neg3A_17 = arith.constant 0.000000e+00 : f32
    %neg3A_18 = vector.broadcast %neg3A_17 : f32 to vector<131072xf32>
    %neg3A_19 = arith.subf %neg3A_18, %log3A_16 : vector<131072xf32>
    %sub3A = arith.constant 1.000000e+06 : f32
    %sub3A_20 = arith.subf %sub3A, %convert_element_type3A_3 : f32
    %lt3A = vector.broadcast %sub3A_20 : f32 to vector<131072xf32>
    %lt3A_21 = arith.cmpf olt, %get3A_4, %lt3A : vector<131072xf32>
    %add3A_22 = arith.addf %get3A_6, %neg3A_19 : vector<131072xf32>
    %jit3A = arith.constant 0xFF800000 : f32
    %broadcast_in_dim3A = vector.broadcast %jit3A : f32 to vector<131072xf32>
    %select_n3A = arith.select %lt3A_21, %add3A_22, %broadcast_in_dim3A : vector<131072xi1>, vector<131072xf32>
    %get3A_23 = arith.constant 0 : index
    %get3A_24 = vector.load %arg6[%get3A_23] : memref<131072xf32, #tpu.memory_space<vmem>>, vector<131072xf32>
    %gt3A = arith.cmpf ogt, %select_n3A, %get3A_24 : vector<131072xf32>
    %get3A_25 = arith.constant 0 : index
    %get3A_26 = vector.load %arg6[%get3A_25] : memref<131072xf32, #tpu.memory_space<vmem>>, vector<131072xf32>
    %select_n3A_27 = arith.select %gt3A, %select_n3A, %get3A_26 : vector<131072xi1>, vector<131072xf32>
    %swap3A = arith.constant 0 : index
    %swap3A_28 = vector.load %arg6[%swap3A] : memref<131072xf32, #tpu.memory_space<vmem>>, vector<131072xf32>
    tpu.vector_store %arg6[%swap3A], %select_n3A_27 {strides = array<i32>} : memref<131072xf32, #tpu.memory_space<vmem>>, vector<131072xf32>,
    %add3A_29 = vector.broadcast %convert_element_type3A_3 : f32 to vector<131072xf32>
    %add3A_30 = arith.addf %get3A_4, %add3A_29 : vector<131072xf32>
    %get3A_31 = arith.constant 0 : index
    %get3A_32 = vector.load %arg7[%get3A_31] : memref<131072xf32, #tpu.memory_space<vmem>>, vector<131072xf32>
    %select_n3A_33 = arith.select %gt3A, %add3A_30, %get3A_32 : vector<131072xi1>, vector<131072xf32>
    %swap3A_34 = arith.constant 0 : index
    %swap3A_35 = vector.load %arg7[%swap3A_34] : memref<131072xf32, #tpu.memory_space<vmem>>, vector<131072xf32>
    tpu.vector_store %arg7[%swap3A_34], %select_n3A_33 {strides = array<i32>} : memref<131072xf32, #tpu.memory_space<vmem>>, vector<131072xf32>,
    %get3A_36 = arith.constant 0 : index
    %get3A_37 = vector.load %arg8[%get3A_36] : memref<131072xf32, #tpu.memory_space<vmem>>, vector<131072xf32>
    %select_n3A_38 = arith.select %gt3A, %get3A_6, %get3A_37 : vector<131072xi1>, vector<131072xf32>
    %swap3A_39 = arith.constant 0 : index
    %swap3A_40 = vector.load %arg8[%swap3A_39] : memref<131072xf32, #tpu.memory_space<vmem>>, vector<131072xf32>
    tpu.vector_store %arg8[%swap3A_39], %select_n3A_38 {strides = array<i32>} : memref<131072xf32, #tpu.memory_space<vmem>>, vector<131072xf32>,
    %eq3A_41 = arith.constant 7 : i32
    %eq3A_42 = arith.cmpi eq, %arg0, %eq3A_41 : i32
    %convert_element_type3A_43 = arith.extui %eq3A_42 : i1 to i32
    %cond3A_44 = arith.constant 0 : i32
    %cond3A_45 = arith.cmpi ne, %convert_element_type3A_43, %cond3A_44 : i32
    scf.if %cond3A_45 {
      %get3A_46 = arith.constant 0 : index
      %get3A_47 = vector.load %arg6[%get3A_46] : memref<131072xf32, #tpu.memory_space<vmem>>, vector<131072xf32>
      %get3A_48 = arith.constant 0 : index
      %get3A_49 = vector.load %arg7[%get3A_48] : memref<131072xf32, #tpu.memory_space<vmem>>, vector<131072xf32>
      %reduce_max3A = vector.shape_cast %get3A_47 : vector<131072xf32> to vector<1x131072xf32>
      %reduce_max3A_50 = arith.constant dense<0xFF800000> : vector<1xf32>
      %reduce_max3A_51 = vector.multi_reduction <maximumf>, %reduce_max3A, %reduce_max3A_50 [1] : vector<1x131072xf32> to vector<1xf32>
      %reduce_max3A_52 = vector.shape_cast %reduce_max3A_51 : vector<1xf32> to vector<1x1xf32>
      %reduce_max3A_53 = vector.extract %reduce_max3A_52[0, 0] : f32 from vector<1x1xf32>
      %eq3A_54 = vector.broadcast %reduce_max3A_53 : f32 to vector<131072xf32>
      %eq3A_55 = arith.cmpf oeq, %get3A_47, %eq3A_54 : vector<131072xf32>
      %jit3A_56 = arith.constant 0x4C000000 : f32
      %broadcast_in_dim3A_57 = vector.broadcast %jit3A_56 : f32 to vector<131072xf32>
      %select_n3A_58 = arith.select %eq3A_55, %get3A_49, %broadcast_in_dim3A_57 : vector<131072xi1>, vector<131072xf32>
      %reduce_min3A = vector.shape_cast %select_n3A_58 : vector<131072xf32> to vector<1x131072xf32>
      %reduce_min3A_59 = arith.constant dense<0x7F800000> : vector<1xf32>
      %reduce_min3A_60 = vector.multi_reduction <minimumf>, %reduce_min3A, %reduce_min3A_59 [1] : vector<1x131072xf32> to vector<1xf32>
      %reduce_min3A_61 = vector.shape_cast %reduce_min3A_60 : vector<1xf32> to vector<1x1xf32>
      %reduce_min3A_62 = vector.extract %reduce_min3A_61[0, 0] : f32 from vector<1x1xf32>
      %convert_element_type3A_63 = arith.fptosi %reduce_min3A_62 : f32 to i32
      %swap3A_64 = arith.constant 0 : index
      %swap3A_65 = memref.load %arg3[%swap3A_64] : memref<1xi32, #tpu.memory_space<smem>>
      memref.store %convert_element_type3A_63, %arg3[%swap3A_64] : memref<1xi32, #tpu.memory_space<smem>>
      %eq3A_66 = vector.broadcast %reduce_min3A_62 : f32 to vector<131072xf32>
      %eq3A_67 = arith.cmpf oeq, %get3A_49, %eq3A_66 : vector<131072xf32>
      %get3A_68 = arith.constant 0 : index
      %get3A_69 = vector.load %arg8[%get3A_68] : memref<131072xf32, #tpu.memory_space<vmem>>, vector<131072xf32>
      %jit3A_70 = arith.constant 0xFF800000 : f32
      %broadcast_in_dim3A_71 = vector.broadcast %jit3A_70 : f32 to vector<131072xf32>
      %select_n3A_72 = arith.select %eq3A_67, %get3A_69, %broadcast_in_dim3A_71 : vector<131072xi1>, vector<131072xf32>
      %reduce_max3A_73 = vector.shape_cast %select_n3A_72 : vector<131072xf32> to vector<1x131072xf32>
      %reduce_max3A_74 = arith.constant dense<0xFF800000> : vector<1xf32>
      %reduce_max3A_75 = vector.multi_reduction <maximumf>, %reduce_max3A_73, %reduce_max3A_74 [1] : vector<1x131072xf32> to vector<1xf32>
      %reduce_max3A_76 = vector.shape_cast %reduce_max3A_75 : vector<1xf32> to vector<1x1xf32>
      %reduce_max3A_77 = vector.extract %reduce_max3A_76[0, 0] : f32 from vector<1x1xf32>
      %swap3A_78 = arith.constant 0 : index
      %swap3A_79 = memref.load %arg4[%swap3A_78] : memref<1xf32, #tpu.memory_space<smem>>
      memref.store %reduce_max3A_77, %arg4[%swap3A_78] : memref<1xf32, #tpu.memory_space<smem>>
    } else {
    }
    return
  }
  func.func @transform_0(%arg0: i32) -> i32 {
    %c0_i32 = arith.constant 0 : i32
    return %arg0 : i32
  }
  func.func @transform_1(%arg0: i32) -> i32 {
    %c0_i32 = arith.constant 0 : i32
    return %arg0 : i32
  }
  func.func @transform_2(%arg0: i32) -> i32 {
    %c0_i32 = arith.constant 0 : i32
    %c0_i32_0 = arith.constant 0 : i32
    return %c0_i32 : i32
  }
  func.func @transform_3(%arg0: i32) -> i32 {
    %c0_i32 = arith.constant 0 : i32
    %c0_i32_0 = arith.constant 0 : i32
    return %c0_i32 : i32
  }
}

module attributes {stable_mosaic.version = 14 : i64} {
  func.func @_merge_body(%arg0: memref<32x16xf32, #tpu.memory_space<vmem>>, %arg1: memref<1xi32, #tpu.memory_space<smem>>, %arg2: memref<1xf32, #tpu.memory_space<smem>>, %arg3: memref<1xi32, #tpu.memory_space<smem>>, %arg4: memref<1xf32, #tpu.memory_space<smem>>) attributes {dimension_semantics = [], scalar_prefetch = 0 : i64, scratch_operands = 0 : i64, tpu.core_type = #tpu.core_type<tc>} {
    %get3A = arith.constant 0 : index
    %get3A_0 = memref.load %arg1[%get3A] : memref<1xi32, #tpu.memory_space<smem>>
    %swap3A = arith.constant 0 : index
    %swap3A_1 = memref.load %arg3[%swap3A] : memref<1xi32, #tpu.memory_space<smem>>
    memref.store %get3A_0, %arg3[%swap3A] : memref<1xi32, #tpu.memory_space<smem>>
    %get3A_2 = arith.constant 0 : index
    %get3A_3 = memref.load %arg2[%get3A_2] : memref<1xf32, #tpu.memory_space<smem>>
    %get3A_4 = arith.constant 0 : index
    %get3A_5 = arith.constant 0 : index
    %get3A_6 = vector.load %arg0[%get3A_4, %get3A_5] : memref<32x16xf32, #tpu.memory_space<vmem>>, vector<32x16xf32>
    %reduce_sum3A = vector.shape_cast %get3A_6 : vector<32x16xf32> to vector<1x32x16xf32>
    %reduce_sum3A_7 = arith.constant dense<0.000000e+00> : vector<1xf32>
    %reduce_sum3A_8 = vector.multi_reduction <add>, %reduce_sum3A, %reduce_sum3A_7 [1, 2] : vector<1x32x16xf32> to vector<1xf32>
    %reduce_sum3A_9 = vector.shape_cast %reduce_sum3A_8 : vector<1xf32> to vector<1x1x1xf32>
    %reduce_sum3A_10 = vector.extract %reduce_sum3A_9[0, 0, 0] : f32 from vector<1x1x1xf32>
    %log3A = math.log %reduce_sum3A_10 : f32
    %sub3A = arith.subf %get3A_3, %log3A : f32
    %swap3A_11 = arith.constant 0 : index
    %swap3A_12 = memref.load %arg4[%swap3A_11] : memref<1xf32, #tpu.memory_space<smem>>
    memref.store %sub3A, %arg4[%swap3A_11] : memref<1xf32, #tpu.memory_space<smem>>
    return
  }
}

</mosaic_0001>

<sc_bundles>
// kernel: kernel.5.cloned.1.call-start
scs
__scs_entry_jumppad:
0x0: {  	(pc) =	sbr.rel $0x88, $3  }
0x1: {  	(tag) =	ssettag $0x0;
	lr =	simm.s32 $0x1  }
0x2: {  	[smem:$0x3F9F] =	sst lr;
	_ =	strace $0xD0000000  }
0x3: {  	_ = 	snop  }
0x4: {  	_ = 	snop  }
0x5: {  	_ = 	snop  }
0x6: {  	_ = 	snop  }
0x7: {  	_ = 	snop  }
__scs_overlays_trampoline_lowered:
0x8: {  	[smem:$0x3FAE] =	sst s0  }
0x9: {  	[smem:$0x3FAF] =	sst s1  }
0xa: {  	[smem:$0x3FB0] =	sst s2  }
0xb: {  	[smem:$0x3FB1] =	sst s3  }
0xc: {  	[smem:$0x3FB2] =	sst s4  }
0xd: {  	[smem:$0x3FB3] =	sst s5  }
0xe: {  	[smem:$0x3FB4] =	sst s6  }
0xf: {  	[smem:$0x3FB5] =	sst s7  }
0x10: {  	[smem:$0x3FB6] =	sst s8  }
0x11: {  	[smem:$0x3FB7] =	sst s9;
	s0 =	simm.s32 @!p0 $0x0  }
0x12: {  	s1 =	sld [smem:$0x3F9D];
	s0 =	simm.s32 @p0 $0x1  }
0x13: {  	[smem:$0x3FB8] =	sst s0;
	s0 =	simm.s32 @!p1 $0x0  }
0x14: {  	s2 =	sld [smem:$0x3F9C];
	s0 =	simm.s32 @p1 $0x1  }
0x15: {  	[smem:$0x3FB9] =	sst s0;
	s0 =	simm.s32 @!p2 $0x0  }
0x16: {  	s3 =	sld [smem:$0x3FDB];
	s0 =	simm.s32 @p2 $0x1  }
0x17: {  	s4 =	simm.s32 $0x1BF5;
	[smem:$0x3FBB] =	sst s0  }
0x18: {  	s0 =	sld [smem:$0x3F9E];
	_ =	swait.ge [sflag:s4], $0x0  }
0x19: {  	s7 =	sld [smem:$0x3F9F]  }
0x1a: {  	s8 =	sadd.s32 $0xFFFFE003, lr  }
0x1b: {  	s9 =	sadd.s32 $0xFFFFFEF7, lr;
	s5 =	simm.s32 $0xFFFFFFFF;
	p2 =	slt.u32 s8, $0xFFFFF086  }
0x1c: {  	p1 =	slt.u32 s9, $0xF7A;
	s5 =	simm.s32 @!p2 $0x0  }
0x1d: {  	s5 =	simm.s32 @p1 $0x1;
	p0 =	seq.s32 s7, s2  }
0x1e: {  	s7 =	smul.u32 @!p0 $0xF7A, s2;
	p2 =	seq.s32 @!p0 s5, $0x0  }
0x1f: {  	s9 =	smul.u32 $0xF7A, s1;
	s8 =	simm.s32 @!p0 $0x1BF5;
	p2 =	por !p2, p0  }
0x20: {  	[sflag:s8] =	ssyncset.s32 @!p0 $0xFFFFF086;
	s6 =	sadd.s32 @!p0 s3, s7;
	s7 =	simm.s32 @!p0 $0x108  }
0x21: {  	s3 =	sadd.s32 s3, s9;
	s6 =	sadd.s32 @!p0 $0x88, s6;
	s7 =	simm.s32 @p2 $0x1082  }
0x22: {  	[simem:s7], [sflag:s8] =	dma.local @!p0 [hbm:s6], $0xF7A  }
0x23: {  	s9 =	sor.u32 $0xD0000000, s2;
	s6 =	simm.s32 $0x108;
	_ =	swait.ge @!p0 [sflag:s8], $0x0  }
0x24: {  	s3 =	sadd.s32 $0x88, s3;
	s6 =	simm.s32 @!p1 $0x1082;
	[sflag:s4] =	ssyncset.s32 $0xFFFFF086  }
0x25: {  	[simem:s6], [sflag:s4] =	dma.local [hbm:s3], $0xF7A  }
0x26: {  	[smem:$0x3F9F] =	sst s1;
	(tag) =	ssettag s2;
	_ =	strace s9  }
0x27: {  	s1 =	sld [smem:$0x3FAF]  }
0x28: {  	s2 =	sld [smem:$0x3FB0]  }
0x29: {  	s4 =	sld [smem:$0x3FB2]  }
0x2a: {  	p0 =	seq.s32 s5, $0x0;
	s5 =	sld [smem:$0x3FB3]  }
0x2b: {  	s6 =	sld [smem:$0x3FB4]  }
0x2c: {  	s7 =	sld [smem:$0x3FB5]  }
0x2d: {  	s3 =	simm.s32 $0x108;
	s8 =	sld [smem:$0x3FB6]  }
0x2e: {  	s3 =	simm.s32 @!p0 $0x1082;
	s9 =	sld [smem:$0x3FB7]  }
0x2f: {  	lr =	sadd.s32 s0, s3;
	s0 =	sld [smem:$0x3FAE]  }
0x30: {  	s3 =	sld [smem:$0x3FB1]  }
0x31: {  	[smem:$0x3FBA] =	sst s10  }
0x32: {  	s10 =	sld [smem:$0x3FB8];
	_ =	sdelay $0x3  }
0x33: {  	p0 =	seq.s32 s10, $0x1;
	s10 =	sld [smem:$0x3FBA];
	_ =	sdelay $0x3  }
0x34: {  	[smem:$0x3FBA] =	sst s10  }
0x35: {  	s10 =	sld [smem:$0x3FB9];
	_ =	sdelay $0x3  }
0x36: {  	p1 =	seq.s32 s10, $0x1;
	s10 =	sld [smem:$0x3FBA];
	_ =	sdelay $0x3  }
0x37: {  	[smem:$0x3FBA] =	sst s10  }
0x38: {  	s10 =	sld [smem:$0x3FBB]  }
0x39: {  	_ = 	snop;
	(pc) =	sbr.ind lr, $3  }
0x3a: {  	_ = 	snop  }
0x3b: {  	_ = 	snop  }
0x3c: {  	p2 =	seq.s32 s10, $0x1;
	s10 =	sld [smem:$0x3FBA]  }
0x3d: {  	_ =	shalt  }
0x3e: {  	_ =	shalt  }
0x3f: {  	_ =	shalt  }
0x40: {  	_ =	shalt  }
0x41: {  	_ =	shalt  }
0x42: {  	_ =	shalt  }
0x43: {  	_ =	shalt  }
0x44: {  	_ =	shalt  }
0x45: {  	_ =	shalt  }
0x46: {  	_ =	shalt  }
0x47: {  	_ =	shalt  }
0x48: {  	_ =	shalt  }
0x49: {  	_ =	shalt  }
0x4a: {  	_ =	shalt  }
0x4b: {  	_ =	shalt  }
0x4c: {  	_ =	shalt  }
0x4d: {  	_ =	shalt  }
0x4e: {  	_ =	shalt  }
0x4f: {  	_ =	shalt  }
0x50: {  	_ =	shalt  }
0x51: {  	_ =	shalt  }
0x52: {  	_ =	shalt  }
0x53: {  	_ =	shalt  }
0x54: {  	_ =	shalt  }
0x55: {  	_ =	shalt  }
0x56: {  	_ =	shalt  }
0x57: {  	_ =	shalt  }
0x58: {  	_ =	shalt  }
0x59: {  	_ =	shalt  }
0x5a: {  	_ =	shalt  }
0x5b: {  	_ =	shalt  }
0x5c: {  	_ =	shalt  }
0x5d: {  	_ =	shalt  }
0x5e: {  	_ =	shalt  }
0x5f: {  	_ =	shalt  }
0x60: {  	_ =	shalt  }
0x61: {  	_ =	shalt  }
0x62: {  	_ =	shalt  }
0x63: {  	_ =	shalt  }
0x64: {  	_ =	shalt  }
0x65: {  	_ =	shalt  }
0x66: {  	_ =	shalt  }
0x67: {  	_ =	shalt  }
0x68: {  	_ =	shalt  }
0x69: {  	_ =	shalt  }
0x6a: {  	_ =	shalt  }
0x6b: {  	_ =	shalt  }
0x6c: {  	_ =	shalt  }
0x6d: {  	_ =	shalt  }
0x6e: {  	_ =	shalt  }
0x6f: {  	_ =	shalt  }
0x70: {  	_ =	shalt  }
0x71: {  	_ =	shalt  }
0x72: {  	_ =	shalt  }
0x73: {  	_ =	shalt  }
0x74: {  	_ =	shalt  }
0x75: {  	_ =	shalt  }
0x76: {  	_ =	shalt  }
0x77: {  	_ =	shalt  }
0x78: {  	_ =	shalt  }
0x79: {  	_ =	shalt  }
0x7a: {  	_ =	shalt  }
0x7b: {  	_ =	shalt  }
0x7c: {  	_ =	shalt  }
0x7d: {  	_ =	shalt  }
0x7e: {  	_ =	shalt  }
0x7f: {  	_ =	shalt  }
0x80: {  	_ =	shalt  }
0x81: {  	_ =	shalt  }
0x82: {  	_ =	shalt  }
0x83: {  	_ =	shalt  }
0x84: {  	_ =	shalt  }
0x85: {  	_ =	shalt  }
0x86: {  	_ =	shalt  }
0x87: {  	_ =	shalt  }
.Lfunc_end0:
.L_simem_size_0:
called_computation_lowered:
.L_overlay_start_0:
0x88: {  	s2 =	sld [smem:$0x3FD9]  }
0x89: {  	s3 =	sld [smem:$0x3FFE];
	_ =	sdelay $0x1  }
0x8a: {  	s1 =	srdreg.scid  }
0x8b: {  	s0 =	sand.u32 $0x1, s1  }
0x8c: {  	s17 =	sshll.u32 s0, $0xA;
	s2 =	sadd.s32 s3, s2  }
0x8d: {  	s2 =	sadd.s32 s2, s17  }
0x8e: {  	[smem:$0x3FC6] =	sst s2  }
0x8f: {  	_ = 	snop  }
0x90: {  	s2 =	sld [smem:$0x3FC9];
	(tm) =	ssettm $0x1  }
0x91: {  	s18 =	sld [smem:$0x3FFB];
	_ =	sdelay $0x3  }
0x92: {  	_ =	strace s18  }
0x93: {  	s3 =	sld [smem:$0x3FFC];
	_ =	sdelay $0x3  }
0x94: {  	_ =	strace s3  }
0x95: {  	s3 =	sld [smem:$0x3FFD];
	_ =	sdelay $0x3  }
0x96: {  	_ =	strace s3  }
0x97: {  	_ =	strace $0x8FFFFFFF  }
0x98: {  	s19 =	sld [smem:$0x3FDB];
	_ =	sdelay $0x1  }
0x99: {  	s4 =	simm.s32 $_scs_section_size  }
0x9a: {  	s5 =	simm.s32 $_size__tile_overlayer_lowered;
	s6 =	simm.s32 $_tile_overlayer_lowered  }
0x9b: {  	s22 =	simm.s32 $0x1BFF;
	s21 =	sshll.u32 s6, $0x1;
	s3 =	sadd.s32 s4, s19  }
0x9c: {  	s7 =	simm.s32 $0x0;
	s20 =	sshll.u32 s5, $0x1;
	s5 =	sadd.s32 s21, s3  }
0x9d: {  	[timem:s7], [sflag:s22] =	dma.local [hbm:s5], s20  }
0x9e: {  	_ =	swait.ge [sflag:s22], s20  }
0x9f: {  	s4 =	ssub.s32 $0x0, s20;
	[sflag:s22] =	ssyncset.done $0x0  }
0xa0: {  	[sflag:s22] =	ssyncadd.s32 s4;
	_ =	sdelay $0x1  }
0xa1: {  	s23 =	simm.s32 $0x1B8B  }
0xa2: {  	_ =	swait.ge [sflag:s23], $0x1  }
0xa3: {  	[sflag:s23] =	ssyncset.done $0x0  }
0xa4: {  	s25 =	simm.s32 $0x1B8E;
	s24 =	sld [smem:$0x3FFE];
	[sflag:s23] =	ssyncadd.s32 $0xFFFFFFFF  }
0xa5: {  	s26 =	simm.s32 $execute0_lowered;
	[smem:$0x3FD2] =	sst s25  }
0xa6: {  	s5 =	sshll.u32 s26, $0x1;
	_ =	strace $0x80000046;
	[dreg:$0x1] =	wrdreg $0xFFFFFFFF  }
0xa7: {  	s28 =	simm.s32 $_size_execute0_lowered;
	s3 =	sadd.s32 s3, s5;
	[dreg:$0x0] =	wrdreg $0x0  }
0xa8: {  	s5 =	sshll.u32 s28, $0x1;
	[dreg:$0x2] =	wrdreg s3  }
0xa9: {  	[dreg:$0x3] =	wrdreg s5  }
0xaa: {  	[dreg:$0x4] =	wrdreg $0xC0  }
0xab: {  	_ =	task [dreg:s7], $0x5FFFF  }
0xac: {  	[dreg:$0x1] =	wrdreg $0xFFFFFFFF  }
0xad: {  	[dreg:$0x0] =	wrdreg $0x60  }
0xae: {  	[dreg:$0x2] =	wrdreg s2  }
0xaf: {  	[dreg:$0x3] =	wrdreg s24  }
0xb0: {  	[dreg:$0x4] =	wrdreg $0x9  }
0xb1: {  	_ =	task.clear_ibuf [dreg:s7], $0x5FFFF;
	_ =	strace $0x90000046  }
0xb2: {  	s29 =	simm.s32 $0x9;
	_ =	strace $0x80000048  }
0xb3: {  	_ =	swait.ge [sflag:s29], $0x1  }
0xb4: {  	[sflag:s29] =	ssyncadd.s32 $0xFFFFFFFF  }
0xb5: {  	_ =	strace $0x90000048  }
0xb6: {  	_ =	sfence  }
0xb7: {  	s30 =	sld [smem:$0x0];
	_ =	sdelay $0x2  }
0xb8: {  	s31 =	sshll.u32 s1, $0xD;
	s1 =	sshrl.u32 s1, $0x2  }
0xb9: {  	s3 =	sand.u32 $0x4000, s31;
	s1 =	sadd.s32 s1, s30  }
0xba: {  	s0 =	sor.u32 s3, s0;
	s1 =	sshll.u32 s1, $0x11  }
0xbb: {  	s0 =	sor.u32 s1, s0  }
0xbc: {  	s0 =	sadd.s32 $0x8F2B, s0  }
0xbd: {  	[sflag:s0] =	ssyncadd.remote.s32 $0x1  }
0xbe: {  	_ =	sfence.sel $0xFFFF  }
0xbf: {  	[dreg:$0x0] =	wrdreg $0xFFFFFFFF;
	(pc) =	sbr.abs _section_cstart, $3  }
0xc0: {  	[dreg:$0x1] =	wrdreg $0xFFFFFFFF  }
0xc1: {  	_ =	task.clear_ibuf [dreg:s7], $0x2FFFF;
	_ =	strace $0x9FFFFFFF  }
0xc2: {  	(tm) =	ssettm $0x7FFFFFFF  }
0xc3: {  	_ =	shalt  }
tec
execute0_lowered:
.L_overlay_start_1:
0x0: {  	(tag) =	ssettag $0x1  }
0x1: {  	s7 =	rddreg [dreg:$0x0];
	s1 =	srdreg.scid  }
0x2: {  	s0 =	stileid.u32;
	s3 =	rddreg [dreg:$0x1]  }
0x3: {  	s2 =	simm.s32 $0x0;
	s11 =	simm.s32 $0x7D00;
	s12 =	simm.s32 $0x5  }
0x4: {  	s13 =	simm.s32 $0x1F40;
	s14 =	simm.s32 $0x3E80;
	s15 =	simm.s32 $0x5DC0  }
0x5: {  	s16 =	simm.s32 $0x2;
	s17 =	simm.s32 $0x3;
	s18 =	simm.s32 $0x4  }
0x6: {  	s4 =	sand.u32 $0x1, s1;
	s5 =	sshll.u32 s0, $0x1;
	s1 =	rddreg [dreg:$0x2]  }
0x7: {  	s19 =	simm.s32 $0x0;
	[smem:$0x7FF] =	sst s2;
	s10 =	sor.u32 s4, s5  }
0x8: {  	_ =	strace $0x80000047;
	s4 =	ssub.s32 $0x2, s4;
	s5 =	smul.u32 $0x7D00, s10  }
.Ltmp0:
0x9: {  	s6 =	sshll.u32 s10, $0x4;
	s31 =	sshrl.u32 s4, $0x1;
	(pc) =	sbr.rel .LBB2_1-.Ltmp0, $4  }
0xa: {  	p0 =	seq.s32 s10, $0x1F;
	s10 =	simm.s32 $0x1;
	s8 =	sadd.s32 s6, s3  }
0xb: {  	s9 =	ssub.s32 s4, s31;
	s5 =	sshrl.u32 s5, $0x3;
	s8 =	sadd.s32 $0xE00, s8  }
0xc: {  	s9 =	smax.u32 s9, $0x1;
	s3 =	sadd.s32 s7, s5;
	s7 =	sadd.s32 $0x1E460, s7  }
0xd: {  	s4 =	sadd.s32 $0x3E8, s3;
	s5 =	sadd.s32 $0x7D0, s3;
	s6 =	sadd.s32 $0xBB8, s3  }
.LBB2_13:
0xe: {  	v4 =	vmul.f32 $1.442695020e+00, v4  }
0xf: {  	v5 =	vmul.f32 $1.442695020e+00, v5  }
0x10: {  	v6 =	vmul.f32 $1.442695020e+00, v6;
	(erf) = vpow2.f32 v4  }
0x11: {  	v54 =	vmul.f32 $1.442695020e+00, v7;
	(erf) = vpow2.f32 v5  }
0x12: {  	v55 =	vpop (erf);
	(erf) = vpow2.f32 v6  }
0x13: {  	v56 =	vpop (erf);
	(erf) = vpow2.f32 v54  }
0x14: {  	v57 =	vpop (erf)  }
0x15: {  	v58 =	vpop (erf)  }
0x16: {  	v9 =	vpop (erf)  }
0x17: {  	v10 =	vpop (erf)  }
0x18: {  	v0 =	vadd.f32 v8, v0;
	v3 =	vadd.f32 v55, v3;
	v59 =	vpop (erf)  }
0x19: {  	v1 =	vadd.f32 v56, v1;
	v2 =	vadd.f32 v57, v2;
	v60 =	vpop (erf)  }
0x1a: {  	v0 =	vadd.f32 v58, v0;
	v3 =	vadd.f32 v9, v3;
	v61 =	vpop (erf)  }
0x1b: {  	v1 =	vadd.f32 v10, v1;
	v2 =	vadd.f32 v59, v2;
	v62 =	vpop (erf)  }
0x1c: {  	v0 =	vadd.f32 v60, v0;
	v3 =	vadd.f32 v61, v3;
	v63 =	vpop (erf)  }
0x1d: {  	v1 =	vadd.f32 v62, v1;
	v2 =	vadd.f32 v63, v2;
	_ =	sdelay $0x1  }
0x1e: {  	v1 =	vadd.f32 v1, v3;
	v0 =	vadd.f32 v0, v2;
	_ =	sdelay $0x1  }
0x1f: {  	v0 =	vadd.f32 v0, v1  }
.LBB2_14:
0x20: {  	s19 =	sadd.s32 $0x1, s19  }
0x21: {  	p1 =	sne.s32 s19, s9  }
.Ltmp1:
0x22: {  	[tilespmem:$0x7D00] =	vst v0;
	(pc) =	sbr.rel @!p1 .LBB2_15-.Ltmp1, $4  }
0x23: {  	[hbm4b:s8+s2] =	stream.linear.scatter [tilespmem:s11], [sflag:$0x5], $0x80, $0x38;
	[tilespmem:$0x7D80] =	vst v63  }
0x24: {  	_ =	swait.ge [sflag:s12], $0x80  }
0x25: {  	[sflag:s12] =	ssyncset.done $0x0  }
0x26: {  	[sflag:s12] =	ssyncadd.s32 $0xFFFFFF80  }
.LBB2_1:
.Ltmp2:
0x27: {  	(pc) =	sbr.rel @!p0 .LBB2_2-.Ltmp2, $2  }
0x28: {  	_ =	sdelay $0x2  }
0x29: {  	s20 =	simm.s32 $0x0  }
0x2a: {  	[tilespmem:s20], [sflag:$0x1] =	stream.linear.gather [hbm4b:s7+s20], $0x1F40, $0x38;
	[tilespmem:$0x7D80] =	vst v63  }
0x2b: {  	_ =	swait.ge [sflag:s10], $0x1F40  }
0x2c: {  	[sflag:s10] =	ssyncset.done $0x0  }
0x2d: {  	s30 =	simm.s32 $0x0;
	[sflag:s10] =	ssyncadd.s32 $0xFFFFE0C0  }
0x2e: {  	v0 =	vld [tilespmem:s30+$0x30]  }
0x2f: {  	v1 =	vld [tilespmem:s30+$0x0]  }
0x30: {  	v2 =	vld [tilespmem:s30+$0x10]  }
0x31: {  	v3 =	vld [tilespmem:s30+$0x20];
	_ =	sdelay $0x1  }
0x32: {  	s31 =	simm.s32 $0x40;
	v0 =	vmul.f32 $1.442695020e+00, v0  }
0x33: {  	v4 =	vld [tilespmem:s31+$0x30];
	v1 =	vmul.f32 $1.442695020e+00, v1  }
0x34: {  	v5 =	vld [tilespmem:s31+$0x0];
	v2 =	vmul.f32 $1.442695020e+00, v2;
	(erf) = vpow2.f32 v0  }
0x35: {  	v3 =	vmul.f32 $1.442695020e+00, v3;
	v0 =	vld [tilespmem:s31+$0x10];
	(erf) = vpow2.f32 v1  }
0x36: {  	v6 =	vld [tilespmem:s31+$0x20];
	(erf) = vpow2.f32 v2  }
0x37: {  	(erf) = vpow2.f32 v3  }
0x38: {  	s21 =	simm.s32 $0x80;
	v1 =	vmul.f32 $1.442695020e+00, v4  }
0x39: {  	v4 =	vld [tilespmem:s21+$0x30];
	v2 =	vmul.f32 $1.442695020e+00, v5  }
0x3a: {  	v5 =	vld [tilespmem:s21+$0x0];
	(erf) = vpow2.f32 v1;
	v0 =	vmul.f32 $1.442695020e+00, v0  }
0x3b: {  	v1 =	vmul.f32 $1.442695020e+00, v6;
	v6 =	vld [tilespmem:s21+$0x10];
	(erf) = vpow2.f32 v2  }
0x3c: {  	v7 =	vld [tilespmem:s21+$0x20];
	v3 =	vimm.f32 $0.0e+00;
	v2 =	vimm.f32 $0.0e+00;
	(erf) = vpow2.f32 v0  }
0x3d: {  	s20 =	simm.s32 $0x300;
	v0 =	vimm.f32 $0.0e+00;
	(erf) = vpow2.f32 v1;
	v1 =	vimm.f32 $0.0e+00;
	v8 =	vpop (erf)  }
.LBB2_12:
0x3e: {  	s21 =	sshra.s32 s20, $0x2;
	p1 =	sne.s32 s20, $0x7C00;
	s20 =	sadd.s32 $0x100, s20;
	v9 =	vmul.f32 $1.442695020e+00, v4;
	v0 =	vadd.f32 v8, v0;
	v8 =	vpop (erf)  }
.Ltmp3:
0x3f: {  	v10 =	vmul.f32 $1.442695020e+00, v5;
	v4 =	vld [tilespmem:s21+$0x30];
	v3 =	vadd.f32 v8, v3;
	v8 =	vpop (erf);
	(pc) =	sbr.rel @p1 .LBB2_12-.Ltmp3, $4  }
0x40: {  	v11 =	vmul.f32 $1.442695020e+00, v6;
	v5 =	vld [tilespmem:s21+$0x0];
	(erf) = vpow2.f32 v9;
	v1 =	vadd.f32 v8, v1;
	v8 =	vpop (erf)  }
0x41: {  	v9 =	vmul.f32 $1.442695020e+00, v7;
	v6 =	vld [tilespmem:s21+$0x10];
	(erf) = vpow2.f32 v10;
	v2 =	vadd.f32 v8, v2  }
0x42: {  	v7 =	vld [tilespmem:s21+$0x20];
	(erf) = vpow2.f32 v11  }
0x43: {  	(erf) = vpow2.f32 v9;
	v8 =	vpop (erf)  }
.Ltmp4:
0x44: {  	_ = 	snop;
	(pc) =	sbr.rel .LBB2_13-.Ltmp4, $1  }
0x45: {  	_ =	sdelay $0x3  }
.LBB2_2:
0x46: {  	[tilespmem:s20], [sflag:$0x1] =	stream.linear.gather [hbm4b:s3+s20], $0x1F40, $0x38;
	[tilespmem:$0x7D80] =	vst v63  }
0x47: {  	_ = 	snop  }
0x48: {  	[tilespmem:s13], [sflag:$0x2] =	stream.linear.gather [hbm4b:s4+s20], $0x1F40, $0x38;
	[tilespmem:$0x7D80] =	vst v63  }
0x49: {  	_ = 	snop  }
0x4a: {  	[tilespmem:s14], [sflag:$0x3] =	stream.linear.gather [hbm4b:s5+s20], $0x1F40, $0x38;
	[tilespmem:$0x7D80] =	vst v63  }
0x4b: {  	_ = 	snop  }
0x4c: {  	[tilespmem:s15], [sflag:$0x4] =	stream.linear.gather [hbm4b:s6+s20], $0x1F40, $0x38;
	[tilespmem:$0x7D80] =	vst v63  }
0x4d: {  	_ =	swait.ge [sflag:s10], $0x1F40  }
0x4e: {  	[sflag:s10] =	ssyncset.done $0x0  }
0x4f: {  	s30 =	simm.s32 $0x0;
	[sflag:s10] =	ssyncadd.s32 $0xFFFFE0C0  }
0x50: {  	v0 =	vld [tilespmem:s30+$0x30];
	_ =	sdelay $0x1  }
0x51: {  	v1 =	vld [tilespmem:s30+$0x0]  }
0x52: {  	v2 =	vld [tilespmem:s30+$0x10]  }
0x53: {  	s31 =	simm.s32 $0x40;
	v3 =	vld [tilespmem:s30+$0x20]  }
0x54: {  	v4 =	vld [tilespmem:s31+$0x30];
	v0 =	vmul.f32 $1.442695020e+00, v0  }
0x55: {  	v5 =	vld [tilespmem:s31+$0x0]  }
0x56: {  	v1 =	vmul.f32 $1.442695020e+00, v1;
	(erf) = vpow2.f32 v0;
	v0 =	vld [tilespmem:s31+$0x10]  }
0x57: {  	v6 =	vld [tilespmem:s31+$0x20];
	v2 =	vmul.f32 $1.442695020e+00, v2  }
0x58: {  	v3 =	vmul.f32 $1.442695020e+00, v3;
	(erf) = vpow2.f32 v1  }
0x59: {  	v1 =	vmul.f32 $1.442695020e+00, v4;
	(erf) = vpow2.f32 v2  }
0x5a: {  	v2 =	vmul.f32 $1.442695020e+00, v5;
	(erf) = vpow2.f32 v3  }
0x5b: {  	(erf) = vpow2.f32 v1;
	v0 =	vmul.f32 $1.442695020e+00, v0  }
0x5c: {  	s21 =	simm.s32 $0x80;
	v1 =	vmul.f32 $1.442695020e+00, v6;
	(erf) = vpow2.f32 v2  }
0x5d: {  	v5 =	vld [tilespmem:s21+$0x30];
	(erf) = vpow2.f32 v0  }
0x5e: {  	v6 =	vld [tilespmem:s21+$0x0];
	(erf) = vpow2.f32 v1  }
0x5f: {  	v7 =	vld [tilespmem:s21+$0x10]  }
0x60: {  	v8 =	vld [tilespmem:s21+$0x20];
	v3 =	vimm.f32 $0.0e+00  }
0x61: {  	s20 =	simm.s32 $0x300;
	v2 =	vimm.f32 $0.0e+00;
	v0 =	vimm.f32 $0.0e+00;
	v1 =	vimm.f32 $0.0e+00;
	v4 =	vpop (erf)  }
.LBB2_3:
0x62: {  	s21 =	sshra.s32 s20, $0x2;
	p1 =	sne.s32 s20, $0x7C00;
	s20 =	sadd.s32 $0x100, s20;
	v9 =	vmul.f32 $1.442695020e+00, v5;
	v0 =	vadd.f32 v4, v0;
	v4 =	vpop (erf)  }
.Ltmp5:
0x63: {  	v5 =	vld [tilespmem:s21+$0x30];
	v10 =	vmul.f32 $1.442695020e+00, v6;
	v2 =	vadd.f32 v4, v2;
	v4 =	vpop (erf);
	(pc) =	sbr.rel @p1 .LBB2_3-.Ltmp5, $4  }
0x64: {  	v6 =	vld [tilespmem:s21+$0x0];
	v11 =	vmul.f32 $1.442695020e+00, v7;
	(erf) = vpow2.f32 v9;
	v3 =	vadd.f32 v4, v3;
	v4 =	vpop (erf)  }
0x65: {  	v7 =	vld [tilespmem:s21+$0x10];
	v9 =	vmul.f32 $1.442695020e+00, v8;
	(erf) = vpow2.f32 v10;
	v1 =	vadd.f32 v4, v1  }
0x66: {  	v8 =	vld [tilespmem:s21+$0x20];
	(erf) = vpow2.f32 v11  }
0x67: {  	(erf) = vpow2.f32 v9;
	v4 =	vpop (erf)  }
0x68: {  	_ = 	snop  }
0x69: {  	v5 =	vmul.f32 $1.442695020e+00, v5;
	v6 =	vmul.f32 $1.442695020e+00, v6  }
0x6a: {  	v7 =	vmul.f32 $1.442695020e+00, v7  }
0x6b: {  	(erf) = vpow2.f32 v5;
	v5 =	vmul.f32 $1.442695020e+00, v8  }
0x6c: {  	(erf) = vpow2.f32 v6  }
0x6d: {  	v6 =	vpop (erf);
	(erf) = vpow2.f32 v7  }
0x6e: {  	v7 =	vpop (erf);
	(erf) = vpow2.f32 v5  }
0x6f: {  	v5 =	vpop (erf)  }
0x70: {  	v8 =	vpop (erf)  }
0x71: {  	v9 =	vpop (erf)  }
0x72: {  	v10 =	vpop (erf)  }
0x73: {  	v11 =	vpop (erf)  }
0x74: {  	v12 =	vpop (erf)  }
0x75: {  	v13 =	vpop (erf)  }
0x76: {  	v14 =	vpop (erf)  }
0x77: {  	v15 =	vpop (erf)  }
0x78: {  	_ =	swait.ge [sflag:s16], $0x1F40  }
0x79: {  	[sflag:s16] =	ssyncset.done $0x0  }
0x7a: {  	s20 =	simm.s32 $0x0;
	[sflag:s16] =	ssyncadd.s32 $0xFFFFE0C0  }
0x7b: {  	v16 =	vld [tilespmem:s20+$0x1F70]  }
0x7c: {  	v17 =	vld [tilespmem:s20+$0x1F40]  }
0x7d: {  	v18 =	vld [tilespmem:s20+$0x1F50]  }
0x7e: {  	s31 =	simm.s32 $0x40;
	v19 =	vld [tilespmem:s20+$0x1F60]  }
0x7f: {  	v20 =	vld [tilespmem:s31+$0x1F70]  }
0x80: {  	v62 =	vld [tilespmem:s31+$0x1F40];
	v16 =	vmul.f32 $1.442695020e+00, v16  }
0x81: {  	v0 =	vadd.f32 v4, v0;
	v2 =	vadd.f32 v6, v2;
	v63 =	vld [tilespmem:s31+$0x1F50];
	v4 =	vmul.f32 $1.442695020e+00, v17  }
0x82: {  	v3 =	vadd.f32 v7, v3;
	v7 =	vld [tilespmem:s31+$0x1F60];
	v6 =	vmul.f32 $1.442695020e+00, v18;
	(erf) = vpow2.f32 v16  }
0x83: {  	v1 =	vadd.f32 v5, v1;
	(erf) = vpow2.f32 v4;
	v4 =	vmul.f32 $1.442695020e+00, v19  }
0x84: {  	v0 =	vadd.f32 v8, v0;
	v5 =	vmul.f32 $1.442695020e+00, v20;
	(erf) = vpow2.f32 v6  }
0x85: {  	v8 =	vadd.f32 v9, v2;
	v2 =	vmul.f32 $1.442695020e+00, v62;
	(erf) = vpow2.f32 v4  }
0x86: {  	v4 =	vmul.f32 $1.442695020e+00, v63;
	(erf) = vpow2.f32 v5  }
0x87: {  	s21 =	simm.s32 $0x80;
	v9 =	vmul.f32 $1.442695020e+00, v7;
	(erf) = vpow2.f32 v2  }
0x88: {  	v5 =	vld [tilespmem:s21+$0x1F70];
	(erf) = vpow2.f32 v4  }
0x89: {  	v6 =	vld [tilespmem:s21+$0x1F40];
	(erf) = vpow2.f32 v9  }
0x8a: {  	v3 =	vadd.f32 v10, v3;
	v1 =	vadd.f32 v11, v1;
	v7 =	vld [tilespmem:s21+$0x1F50]  }
0x8b: {  	v2 =	vadd.f32 v12, v0;
	v0 =	vadd.f32 v13, v8;
	v8 =	vld [tilespmem:s21+$0x1F60]  }
0x8c: {  	v3 =	vadd.f32 v14, v3;
	v1 =	vadd.f32 v15, v1;
	s20 =	simm.s32 $0x300;
	v4 =	vpop (erf)  }
.LBB2_5:
0x8d: {  	s21 =	sshra.s32 s20, $0x2;
	p1 =	sne.s32 s20, $0x7C00;
	s20 =	sadd.s32 $0x100, s20;
	v9 =	vmul.f32 $1.442695020e+00, v5;
	v2 =	vadd.f32 v4, v2;
	v4 =	vpop (erf)  }
.Ltmp6:
0x8e: {  	v5 =	vld [tilespmem:s21+$0x1F70];
	v10 =	vmul.f32 $1.442695020e+00, v6;
	v0 =	vadd.f32 v4, v0;
	v4 =	vpop (erf);
	(pc) =	sbr.rel @p1 .LBB2_5-.Ltmp6, $4  }
0x8f: {  	v6 =	vld [tilespmem:s21+$0x1F40];
	v11 =	vmul.f32 $1.442695020e+00, v7;
	(erf) = vpow2.f32 v9;
	v3 =	vadd.f32 v4, v3;
	v4 =	vpop (erf)  }
0x90: {  	v7 =	vld [tilespmem:s21+$0x1F50];
	v9 =	vmul.f32 $1.442695020e+00, v8;
	(erf) = vpow2.f32 v10;
	v1 =	vadd.f32 v4, v1  }
0x91: {  	v8 =	vld [tilespmem:s21+$0x1F60];
	(erf) = vpow2.f32 v11  }
0x92: {  	(erf) = vpow2.f32 v9;
	v4 =	vpop (erf)  }
0x93: {  	_ = 	snop  }
0x94: {  	v5 =	vmul.f32 $1.442695020e+00, v5;
	v6 =	vmul.f32 $1.442695020e+00, v6  }
0x95: {  	v7 =	vmul.f32 $1.442695020e+00, v7  }
0x96: {  	(erf) = vpow2.f32 v5;
	v5 =	vmul.f32 $1.442695020e+00, v8  }
0x97: {  	(erf) = vpow2.f32 v6  }
0x98: {  	v6 =	vpop (erf);
	(erf) = vpow2.f32 v7  }
0x99: {  	v7 =	vpop (erf);
	(erf) = vpow2.f32 v5  }
0x9a: {  	v5 =	vpop (erf)  }
0x9b: {  	v8 =	vpop (erf)  }
0x9c: {  	v9 =	vpop (erf)  }
0x9d: {  	v10 =	vpop (erf)  }
0x9e: {  	v11 =	vpop (erf)  }
0x9f: {  	v12 =	vpop (erf)  }
0xa0: {  	v13 =	vpop (erf)  }
0xa1: {  	v14 =	vpop (erf)  }
0xa2: {  	v15 =	vpop (erf)  }
0xa3: {  	_ =	swait.ge [sflag:s17], $0x1F40  }
0xa4: {  	s20 =	simm.s32 $0x0;
	[sflag:s17] =	ssyncset.done $0x0  }
0xa5: {  	s20 =	sand.u32 $0x1FC0, s20;
	[sflag:s17] =	ssyncadd.s32 $0xFFFFE0C0  }
0xa6: {  	s28 =	simm.s32 $0x3EB0;
	v16 =	vld [tilespmem:s20+$0x3E80]  }
0xa7: {  	v17 =	vld [tilespmem:s28+$0x0]  }
0xa8: {  	s21 =	simm.s32 $0x40;
	v18 =	vld [tilespmem:s28+$0xFFFFFFE0]  }
0xa9: {  	s29 =	sand.u32 $0x1FC0, s21;
	v19 =	vld [tilespmem:s28+$0xFFFFFFF0]  }
0xaa: {  	s30 =	simm.s32 $0x3EF0;
	v20 =	vld [tilespmem:s29+$0x3E80]  }
0xab: {  	v62 =	vld [tilespmem:s30+$0x0];
	v16 =	vmul.f32 $1.442695020e+00, v16  }
0xac: {  	v2 =	vadd.f32 v4, v2;
	v0 =	vadd.f32 v6, v0;
	v63 =	vld [tilespmem:s30+$0xFFFFFFE0];
	v4 =	vmul.f32 $1.442695020e+00, v17  }
0xad: {  	v3 =	vadd.f32 v7, v3;
	v7 =	vld [tilespmem:s30+$0xFFFFFFF0];
	v6 =	vmul.f32 $1.442695020e+00, v18;
	(erf) = vpow2.f32 v16  }
0xae: {  	v1 =	vadd.f32 v5, v1;
	(erf) = vpow2.f32 v4;
	v4 =	vmul.f32 $1.442695020e+00, v19  }
0xaf: {  	v2 =	vadd.f32 v8, v2;
	v5 =	vmul.f32 $1.442695020e+00, v20;
	(erf) = vpow2.f32 v6  }
0xb0: {  	v8 =	vadd.f32 v9, v0;
	v0 =	vmul.f32 $1.442695020e+00, v62;
	(erf) = vpow2.f32 v4  }
0xb1: {  	s31 =	simm.s32 $0x80;
	(erf) = vpow2.f32 v5;
	v5 =	vmul.f32 $1.442695020e+00, v63  }
0xb2: {  	v9 =	vadd.f32 v10, v3;
	s20 =	sand.u32 $0x1FC0, s31;
	v10 =	vmul.f32 $1.442695020e+00, v7;
	(erf) = vpow2.f32 v0  }
0xb3: {  	v4 =	vld [tilespmem:s20+$0x3E80];
	s20 =	simm.s32 $0x3F30;
	(erf) = vpow2.f32 v5  }
0xb4: {  	v1 =	vadd.f32 v11, v1;
	v6 =	vld [tilespmem:s20+$0x0];
	(erf) = vpow2.f32 v10  }
0xb5: {  	v7 =	vld [tilespmem:s20+$0xFFFFFFE0]  }
0xb6: {  	v3 =	vadd.f32 v13, v8;
	v1 =	vadd.f32 v15, v1;
	v8 =	vld [tilespmem:s20+$0xFFFFFFF0]  }
0xb7: {  	s21 =	simm.s32 $0xC0;
	v0 =	vadd.f32 v12, v2;
	v2 =	vadd.f32 v14, v9;
	v5 =	vpop (erf)  }
.LBB2_7:
0xb8: {  	s22 =	sand.u32 $0x1FC0, s21;
	v9 =	vmul.f32 $1.442695020e+00, v4;
	v10 =	vpop (erf);
	p1 =	sne.s32 s21, $0x1F00  }
.Ltmp7:
0xb9: {  	s21 =	sadd.s32 $0x40, s21;
	s20 =	sadd.s32 $0x40, s20;
	v3 =	vadd.f32 v5, v3;
	v4 =	vld [tilespmem:s22+$0x3E80];
	v11 =	vmul.f32 $1.442695020e+00, v6;
	v0 =	vadd.f32 v10, v0;
	v5 =	vpop (erf);
	(pc) =	sbr.rel @p1 .LBB2_7-.Ltmp7, $4  }
0xba: {  	v6 =	vld [tilespmem:s20+$0x0];
	v10 =	vmul.f32 $1.442695020e+00, v7;
	(erf) = vpow2.f32 v9;
	v2 =	vadd.f32 v5, v2;
	v5 =	vpop (erf)  }
0xbb: {  	v7 =	vld [tilespmem:s20+$0xFFFFFFE0];
	v9 =	vmul.f32 $1.442695020e+00, v8;
	(erf) = vpow2.f32 v11;
	v1 =	vadd.f32 v5, v1  }
0xbc: {  	v8 =	vld [tilespmem:s20+$0xFFFFFFF0];
	(erf) = vpow2.f32 v10  }
0xbd: {  	(erf) = vpow2.f32 v9;
	v5 =	vpop (erf)  }
0xbe: {  	_ = 	snop  }
0xbf: {  	v4 =	vmul.f32 $1.442695020e+00, v4;
	v6 =	vmul.f32 $1.442695020e+00, v6  }
0xc0: {  	v7 =	vmul.f32 $1.442695020e+00, v7  }
0xc1: {  	(erf) = vpow2.f32 v4;
	v4 =	vmul.f32 $1.442695020e+00, v8  }
0xc2: {  	(erf) = vpow2.f32 v6  }
0xc3: {  	v6 =	vpop (erf);
	(erf) = vpow2.f32 v7  }
0xc4: {  	v7 =	vpop (erf);
	(erf) = vpow2.f32 v4  }
0xc5: {  	v4 =	vpop (erf)  }
0xc6: {  	v8 =	vpop (erf)  }
0xc7: {  	v9 =	vpop (erf)  }
0xc8: {  	v10 =	vpop (erf)  }
0xc9: {  	v11 =	vpop (erf)  }
0xca: {  	v12 =	vpop (erf)  }
0xcb: {  	v13 =	vpop (erf)  }
0xcc: {  	v14 =	vpop (erf)  }
0xcd: {  	v15 =	vpop (erf)  }
0xce: {  	_ =	swait.ge [sflag:s18], $0x1F40  }
0xcf: {  	[sflag:s18] =	ssyncset.done $0x0  }
0xd0: {  	s20 =	simm.s32 $0x0;
	[sflag:s18] =	ssyncadd.s32 $0xFFFFE0C0  }
0xd1: {  	v16 =	vld [tilespmem:s20+$0x5DF0]  }
0xd2: {  	v17 =	vld [tilespmem:s20+$0x5DC0]  }
0xd3: {  	v18 =	vld [tilespmem:s20+$0x5DD0]  }
0xd4: {  	s31 =	simm.s32 $0x40;
	v19 =	vld [tilespmem:s20+$0x5DE0]  }
0xd5: {  	v20 =	vld [tilespmem:s31+$0x5DF0]  }
0xd6: {  	v62 =	vld [tilespmem:s31+$0x5DC0];
	v16 =	vmul.f32 $1.442695020e+00, v16  }
0xd7: {  	v3 =	vadd.f32 v5, v3;
	v0 =	vadd.f32 v6, v0;
	v63 =	vld [tilespmem:s31+$0x5DD0];
	v5 =	vmul.f32 $1.442695020e+00, v17  }
0xd8: {  	v2 =	vadd.f32 v7, v2;
	v7 =	vld [tilespmem:s31+$0x5DE0];
	v6 =	vmul.f32 $1.442695020e+00, v18;
	(erf) = vpow2.f32 v16  }
0xd9: {  	v1 =	vadd.f32 v4, v1;
	v4 =	vmul.f32 $1.442695020e+00, v19;
	(erf) = vpow2.f32 v5  }
0xda: {  	v5 =	vmul.f32 $1.442695020e+00, v20;
	(erf) = vpow2.f32 v6  }
0xdb: {  	v6 =	vadd.f32 v9, v0;
	v0 =	vmul.f32 $1.442695020e+00, v62;
	(erf) = vpow2.f32 v4  }
0xdc: {  	v3 =	vadd.f32 v8, v3;
	v8 =	vmul.f32 $1.442695020e+00, v63;
	(erf) = vpow2.f32 v5  }
0xdd: {  	s21 =	simm.s32 $0x80;
	v2 =	vadd.f32 v10, v2;
	v10 =	vmul.f32 $1.442695020e+00, v7;
	(erf) = vpow2.f32 v0  }
0xde: {  	v4 =	vld [tilespmem:s21+$0x5DF0];
	(erf) = vpow2.f32 v8  }
0xdf: {  	v5 =	vld [tilespmem:s21+$0x5DC0];
	(erf) = vpow2.f32 v10  }
0xe0: {  	v9 =	vadd.f32 v11, v1;
	v1 =	vadd.f32 v13, v6;
	v6 =	vld [tilespmem:s21+$0x5DD0]  }
0xe1: {  	v2 =	vadd.f32 v14, v2;
	v7 =	vld [tilespmem:s21+$0x5DE0]  }
0xe2: {  	s20 =	simm.s32 $0x300;
	v0 =	vadd.f32 v12, v3;
	v3 =	vadd.f32 v15, v9;
	v8 =	vpop (erf)  }
.LBB2_9:
0xe3: {  	s21 =	sshra.s32 s20, $0x2;
	p1 =	sne.s32 s20, $0x7C00;
	s20 =	sadd.s32 $0x100, s20;
	v9 =	vmul.f32 $1.442695020e+00, v4;
	v1 =	vadd.f32 v8, v1;
	v8 =	vpop (erf)  }
.Ltmp8:
0xe4: {  	v4 =	vld [tilespmem:s21+$0x5DF0];
	v10 =	vmul.f32 $1.442695020e+00, v5;
	v0 =	vadd.f32 v8, v0;
	v8 =	vpop (erf);
	(pc) =	sbr.rel @p1 .LBB2_9-.Ltmp8, $4  }
0xe5: {  	v5 =	vld [tilespmem:s21+$0x5DC0];
	v11 =	vmul.f32 $1.442695020e+00, v6;
	(erf) = vpow2.f32 v9;
	v2 =	vadd.f32 v8, v2;
	v8 =	vpop (erf)  }
0xe6: {  	v6 =	vld [tilespmem:s21+$0x5DD0];
	v9 =	vmul.f32 $1.442695020e+00, v7;
	(erf) = vpow2.f32 v10;
	v3 =	vadd.f32 v8, v3  }
0xe7: {  	v7 =	vld [tilespmem:s21+$0x5DE0];
	(erf) = vpow2.f32 v11  }
0xe8: {  	(erf) = vpow2.f32 v9;
	v8 =	vpop (erf)  }
0xe9: {  	v4 =	vmul.f32 $1.442695020e+00, v4  }
0xea: {  	v5 =	vmul.f32 $1.442695020e+00, v5  }
0xeb: {  	v6 =	vmul.f32 $1.442695020e+00, v6;
	(erf) = vpow2.f32 v4  }
0xec: {  	v54 =	vmul.f32 $1.442695020e+00, v7;
	(erf) = vpow2.f32 v5  }
0xed: {  	v55 =	vpop (erf);
	(erf) = vpow2.f32 v6  }
0xee: {  	v56 =	vpop (erf);
	(erf) = vpow2.f32 v54  }
0xef: {  	v57 =	vpop (erf)  }
0xf0: {  	v58 =	vpop (erf)  }
0xf1: {  	v9 =	vpop (erf)  }
0xf2: {  	v10 =	vpop (erf)  }
0xf3: {  	v1 =	vadd.f32 v8, v1;
	v0 =	vadd.f32 v55, v0;
	v59 =	vpop (erf)  }
0xf4: {  	v2 =	vadd.f32 v56, v2;
	v3 =	vadd.f32 v57, v3;
	v60 =	vpop (erf)  }
0xf5: {  	v1 =	vadd.f32 v58, v1;
	v0 =	vadd.f32 v9, v0;
	v61 =	vpop (erf)  }
0xf6: {  	v2 =	vadd.f32 v10, v2;
	v3 =	vadd.f32 v59, v3;
	v62 =	vpop (erf)  }
0xf7: {  	v1 =	vadd.f32 v60, v1;
	v0 =	vadd.f32 v61, v0;
	v63 =	vpop (erf)  }
.Ltmp9:
0xf8: {  	v2 =	vadd.f32 v62, v2;
	v3 =	vadd.f32 v63, v3;
	(pc) =	sbr.rel .LBB2_14-.Ltmp9, $3  }
0xf9: {  	_ = 	snop  }
0xfa: {  	v0 =	vadd.f32 v2, v0;
	v1 =	vadd.f32 v1, v3;
	_ =	sdelay $0x1  }
0xfb: {  	v0 =	vadd.f32 v1, v0  }
.LBB2_15:
0xfc: {  	_ =	sfence.sel $0x180000  }
0xfd: {  	[bflag:$0x0] =	sbarrier.arrive $0xFFFF  }
0xfe: {  	p0 =	sne.s32 s0, $0x0;
	_ =	strace $0x90000047  }
0xff: {  	s0 =	sadd.s32 @!p0 $0x100000, s1;
	[bflag:$0x2] =	sbarrier.arrive $0xFFFF  }
0x100: {  	[sflag:s0] =	ssyncadd.tile.s32 @!p0 $0x1;
	_ =	shalt  }
.Lfunc_end2:
_tile_overlayer_lowered:
.L_overlay_start_2:
0x101: {  	(tag) =	ssettag $0x2  }
0x102: {  	s0 =	rddreg [dreg:$0x0];
	s2 =	stileid.u32  }
0x103: {  	s1 =	rddreg [dreg:$0x1];
	p0 =	sne.s32 s2, $0x0  }
0x104: {  	s3 =	rddreg [dreg:$0x2];
	[bflag:$0x3] =	sbarrier.arrive $0xFFFF;
	s2 =	simm.s32 @!p0 $0x1C05  }
0x105: {  	[timem:s3], [sflag:s2] =	dma.local @!p0 [hbm:s0], s1  }
0x106: {  	s0 =	simm.s32 @!p0 $0x5  }
0x107: {  	_ =	swait.ge @!p0 [sflag:s0], s1  }
0x108: {  	s1 =	ssub.s32 @!p0 $0x0, s1;
	[sflag:s0] =	ssyncset.done @!p0 $0x0  }
0x109: {  	[sflag:s0] =	ssyncadd.s32 @!p0 s1  }
0x10a: {  	[bflag:$0x3] =	sbarrier.arrive $0xFFFF  }
0x10b: {  	_ =	shalt  }

</sc_bundles>
